<compile_context>
chip_gen: v7x
topology: tpu7x:2x2x1
jax: 0.10.2.dev20260603
libtpu: 0.0.44.dev20260713+nightly
codegen_flags: <defaults>
</compile_context>

<pallas_src>
import functools

import jax
import jax.numpy as jnp
import numpy as np
from jax import lax
from jax.experimental import pallas as pl
from jax.experimental.pallas import tpu as pltpu
from jax.experimental.pallas import tpu_sc as plsc

N_NODES = 10000
N_EDGES = 320000
FDIM = 128

NC = 2
NS = 16
NW = NC * NS

NPAD = 10240
SLICE = NPAD // NS
CHUNK = 10240
LAST = N_EDGES - (NW - 1) * CHUNK
NSPLIT = 9984

_MESH = plsc.VectorSubcoreMesh(core_axis_name="c", subcore_axis_name="s")

_ONES = np.ones((CHUNK,), np.float32)


def _rsqrt_vec(d):
    m = d
    scale = jnp.full((16,), 1.0, jnp.float32)
    for _ in range(9):
        big = m > 4.0
        m = jnp.where(big, m * 0.25, m)
        scale = jnp.where(big, scale * 0.5, scale)
    y = scale * 0.7
    half_d = 0.5 * d
    for _ in range(5):
        y = y * (1.5 - half_d * y * y)
    return y


def _deg_body(edge_hbm, ones_hbm, out0_hbm, out1_hbm,
              dst_v, ones_v, zslice_v, deg_sp):
    cid = lax.axis_index("c")
    sid = lax.axis_index("s")
    wid = cid * NS + sid
    base = pl.multiple_of(wid * CHUNK, 128)

    pltpu.sync_copy(ones_hbm, ones_v)

    def zbody(j, carry):
        zslice_v[pl.ds(j * 16, 16)] = jnp.full((16,), 0.0, jnp.float32)
        return carry

    lax.fori_loop(0, SLICE // 16, zbody, 0)
    pltpu.sync_copy(zslice_v, deg_sp.at[pl.ds(sid * SLICE, SLICE)])

    @pl.when(wid < NW - 1)
    def _():
        pltpu.sync_copy(edge_hbm.at[1, pl.ds(base, CHUNK)], dst_v)

    @pl.when(wid == NW - 1)
    def _():
        pltpu.sync_copy(edge_hbm.at[1, pl.ds(base, LAST)],
                        dst_v.at[pl.ds(0, LAST)])

    plsc.subcore_barrier()

    @pl.when(wid < NW - 1)
    def _():
        pltpu.sync_copy(ones_v, deg_sp.at[dst_v], add=True)

    @pl.when(wid == NW - 1)
    def _():
        pltpu.sync_copy(ones_v.at[pl.ds(0, LAST)],
                        deg_sp.at[dst_v.at[pl.ds(0, LAST)]], add=True)

    plsc.subcore_barrier()

    @pl.when(sid == 0)
    def _():
        @pl.when(cid == 0)
        def _():
            pltpu.sync_copy(deg_sp, out0_hbm.at[0])

        @pl.when(cid == 1)
        def _():
            pltpu.sync_copy(deg_sp, out1_hbm.at[0])


_deg_kernel = functools.partial(
    pl.kernel,
    out_type=(jax.ShapeDtypeStruct((1, NPAD), jnp.float32),
              jax.ShapeDtypeStruct((1, NPAD), jnp.float32)),
    mesh=_MESH,
    scratch_types=[
        pltpu.VMEM((CHUNK,), jnp.int32),
        pltpu.VMEM((CHUNK,), jnp.float32),
        pltpu.VMEM((SLICE,), jnp.float32),
        pltpu.VMEM_SHARED((NPAD,), jnp.float32),
    ],
)(_deg_body)


def _s_body(edge_hbm, deg0_hbm, deg1_hbm, s0_hbm, s1_hbm,
            src_v, dst_v, vals_v, dbuf, dtile_v, dinv_sp, s_sp):
    cid = lax.axis_index("c")
    sid = lax.axis_index("s")
    wid = cid * NS + sid
    base = pl.multiple_of(wid * CHUNK, 128)
    nbase = sid * SLICE

    @pl.when(wid < NW - 1)
    def _():
        pltpu.sync_copy(edge_hbm.at[0, pl.ds(base, CHUNK)], src_v)
        pltpu.sync_copy(edge_hbm.at[1, pl.ds(base, CHUNK)], dst_v)

    @pl.when(wid == NW - 1)
    def _():
        pltpu.sync_copy(edge_hbm.at[0, pl.ds(base, LAST)],
                        src_v.at[pl.ds(0, LAST)])
        pltpu.sync_copy(edge_hbm.at[1, pl.ds(base, LAST)],
                        dst_v.at[pl.ds(0, LAST)])

    pltpu.sync_copy(deg0_hbm.at[0, pl.ds(nbase, SLICE)], dbuf.at[0])
    pltpu.sync_copy(deg1_hbm.at[0, pl.ds(nbase, SLICE)], dbuf.at[1])

    def rs_body(j, carry):
        off = j * 16
        d = dbuf[0, pl.ds(off, 16)] + dbuf[1, pl.ds(off, 16)] + 1.0
        dtile_v[pl.ds(off, 16)] = _rsqrt_vec(d)
        return carry

    lax.fori_loop(0, SLICE // 16, rs_body, 0)
    pltpu.sync_copy(dtile_v, dinv_sp.at[pl.ds(nbase, SLICE)])

    def zbody(j, carry):
        dtile_v[pl.ds(j * 16, 16)] = jnp.full((16,), 0.0, jnp.float32)
        return carry

    lax.fori_loop(0, SLICE // 16, zbody, 0)
    pltpu.sync_copy(dtile_v, s_sp.at[pl.ds(nbase, SLICE)])

    plsc.subcore_barrier()

    @pl.when(wid < NW - 1)
    def _():
        pltpu.sync_copy(dinv_sp.at[dst_v], vals_v)
        pltpu.sync_copy(vals_v, s_sp.at[src_v], add=True)

    @pl.when(wid == NW - 1)
    def _():
        pltpu.sync_copy(dinv_sp.at[dst_v.at[pl.ds(0, LAST)]],
                        vals_v.at[pl.ds(0, LAST)])
        pltpu.sync_copy(vals_v.at[pl.ds(0, LAST)],
                        s_sp.at[src_v.at[pl.ds(0, LAST)]], add=True)

    plsc.subcore_barrier()

    @pl.when(sid == 0)
    def _():
        @pl.when(cid == 0)
        def _():
            pltpu.sync_copy(s_sp, s0_hbm.at[0])

        @pl.when(cid == 1)
        def _():
            pltpu.sync_copy(s_sp, s1_hbm.at[0])


_s_kernel = functools.partial(
    pl.kernel,
    out_type=(jax.ShapeDtypeStruct((1, NPAD), jnp.float32),
              jax.ShapeDtypeStruct((1, NPAD), jnp.float32)),
    mesh=_MESH,
    scratch_types=[
        pltpu.VMEM((CHUNK,), jnp.int32),
        pltpu.VMEM((CHUNK,), jnp.int32),
        pltpu.VMEM((CHUNK,), jnp.float32),
        pltpu.VMEM((2, SLICE), jnp.float32),
        pltpu.VMEM((SLICE,), jnp.float32),
        pltpu.VMEM_SHARED((NPAD,), jnp.float32),
        pltpu.VMEM_SHARED((NPAD,), jnp.float32),
    ],
)(_s_body)


def _out_body(d0_ref, d1_ref, s0_ref, s1_ref, x_ref, w_ref, b_ref, out_ref):
    deg = d0_ref[...] + d1_ref[...] + 1.0
    idx = lax.broadcasted_iota(jnp.int32, (1, NPAD), 1)
    dinv = jnp.where(idx < N_NODES, lax.rsqrt(deg), 0.0)
    coef = dinv * (s0_ref[...] + s1_ref[...] + dinv)
    acc = jnp.dot(coef[:, :NSPLIT], x_ref[:NSPLIT, :],
                  preferred_element_type=jnp.float32)
    acc = acc + jnp.dot(coef[:, NSPLIT:N_NODES], x_ref[NSPLIT:, :],
                        preferred_element_type=jnp.float32)
    out_ref[...] = (
        lax.dot_general(acc, w_ref[...], (((1,), (1,)), ((), ())),
                        preferred_element_type=jnp.float32)
        + float(N_NODES) * b_ref[...]
    )


def _out_call(d0, d1, s0, s1, x, w, b2):
    return pl.pallas_call(
        _out_body,
        out_shape=jax.ShapeDtypeStruct((1, FDIM), jnp.float32),
    )(d0, d1, s0, s1, x, w, b2)


@jax.jit
def kernel(x, edge_index, W, b):
    ones = jnp.asarray(_ONES)
    deg0, deg1 = _deg_kernel(edge_index, ones)
    s0, s1 = _s_kernel(edge_index, deg0, deg1)
    return _out_call(deg0, deg1, s0, s1, x, W, b.reshape(1, FDIM))

# --- scband reference (transcript-rebuilt; emitter-appended) ---
"""Pipeline reference for scband-simple-network-58239756534442 (READ-ONLY COPY).

The authoritative reference and input builder live on the scoring server;
editing this copy changes nothing except your own understanding.
"""

import jax, jax.numpy as jnp
import numpy as np

N_NODES = 10000
N_EDGES = 320000
FDIM = 128

def setup_inputs(seed: int = 0) -> dict:
    key = jax.random.key(seed)
    k1, k2 = jax.random.split(key)
    x = jax.random.normal(k1, (N_NODES, FDIM), dtype=jnp.float32)
    edge_index = jax.random.randint(k2, (2, N_EDGES), 0, N_NODES, dtype=jnp.int32)
    # GCNConv params: loaded as identity weight and zero bias in the torch module
    W = jnp.eye(FDIM, dtype=jnp.float32)
    b = jnp.zeros((FDIM,), dtype=jnp.float32)
    return {"x": x, "edge_index": edge_index, "W": W, "b": b}

def reference(x, edge_index, W, b):
    # GCNConv forward: x' = D^{-1/2} (A + I) D^{-1/2} (x W^T) + b
    N = x.shape[0]
    h = x @ W.T
    loop = jnp.arange(N, dtype=edge_index.dtype)
    src = jnp.concatenate([edge_index[0], loop])
    dst = jnp.concatenate([edge_index[1], loop])
    ew = jnp.ones(src.shape[0], dtype=x.dtype)
    deg = jnp.zeros((N,), dtype=x.dtype).at[dst].add(ew)
    dinv = jnp.where(deg > 0, jax.lax.rsqrt(deg), 0.0)
    norm = dinv[src] * ew * dinv[dst]
    msg = h[src] * norm[:, None]
    agg = jnp.zeros_like(h).at[dst].add(msg)
    out = agg + b
    # SimpleNetwork.forward: sum over node dim, keepdim
    return jnp.sum(out, axis=0, keepdims=True)

if __name__ == "__main__":
    import jax
    _d = setup_inputs()
    print(jax.jit(kernel)(*tuple(_d.values())))

</pallas_src>

<mosaic_0001>
#map = affine_map<(d0, d1) -> (0, 0)>
module attributes {stable_mosaic.version = 14 : i64} {
  func.func @_s_body(%arg0: i32, %arg1: i32, %arg2: memref<2x320000xi32, #tpu.memory_space<hbm>>, %arg3: memref<1x10240xf32, #tpu.memory_space<hbm>>, %arg4: memref<1x10240xf32, #tpu.memory_space<hbm>>, %arg5: memref<1x10240xf32, #tpu.memory_space<hbm>>, %arg6: memref<1x10240xf32, #tpu.memory_space<hbm>>, %arg7: memref<10240xi32, #tpu.memory_space<vmem>>, %arg8: memref<10240xi32, #tpu.memory_space<vmem>>, %arg9: memref<10240xf32, #tpu.memory_space<vmem>>, %arg10: memref<2x640xf32, #tpu.memory_space<vmem>>, %arg11: memref<640xf32, #tpu.memory_space<vmem>>, %arg12: memref<10240xf32, #tpu.memory_space<vmem_shared>>, %arg13: memref<10240xf32, #tpu.memory_space<vmem_shared>>) attributes {dimension_semantics = [#tpu.dimension_semantics<core_parallel>, #tpu.dimension_semantics<subcore_parallel>], iteration_bounds = array<i64: 2, 16>, scalar_prefetch = 0 : i64, scratch_operands = 7 : i64, tpu.core_type = #tpu.core_type<sc_vector_subcore>, window_params = [{transform_indices = #map}, {transform_indices = #map}, {transform_indices = #map}, {transform_indices = #map}, {transform_indices = #map}]} {
    %mul3A = arith.constant 16 : i32
    %mul3A_0 = arith.muli %arg0, %mul3A : i32
    %add3A = arith.addi %mul3A_0, %arg1 : i32
    %mul3A_1 = arith.constant 10240 : i32
    %mul3A_2 = arith.muli %add3A, %mul3A_1 : i32
    %multiple_of3A = tpu.assume_multiple %mul3A_2, 128 : i32
    %mul3A_3 = arith.constant 640 : i32
    %mul3A_4 = arith.muli %arg1, %mul3A_3 : i32
    %lt3A = arith.constant 31 : i32
    %lt3A_5 = arith.cmpi slt, %add3A, %lt3A : i32
    %convert_element_type3A = arith.extui %lt3A_5 : i1 to i32
    %cond3A = arith.constant 0 : i32
    %cond3A_6 = arith.cmpi ne, %convert_element_type3A, %cond3A : i32
    scf.if %cond3A_6 {
      %run_scoped3A_41 = arith.constant 0 : i32
      "tpu.region"() ({
        %run_scoped3A_43 = tpu.sem_alloc : memref<!tpu.dma_semaphore, #tpu.memory_space<semaphore_mem>>
        %dma_start3A = tpu.memref_slice %arg2[%run_scoped3A_41, %multiple_of3A] : memref<2x320000xi32, #tpu.memory_space<hbm>> -> memref<1x10240xi32, #tpu.memory_space<hbm>>
        %dma_start3A_44 = tpu.memref_squeeze %dma_start3A : memref<1x10240xi32, #tpu.memory_space<hbm>> -> memref<10240xi32, #tpu.memory_space<hbm>>
        %dma_start3A_45 = tpu.memref_slice %arg2[%run_scoped3A_41, %multiple_of3A] : memref<2x320000xi32, #tpu.memory_space<hbm>> -> memref<1x10240xi32, #tpu.memory_space<hbm>>
        %dma_start3A_46 = tpu.memref_squeeze %dma_start3A_45 : memref<1x10240xi32, #tpu.memory_space<hbm>> -> memref<10240xi32, #tpu.memory_space<hbm>>
        tpu.enqueue_dma source(%dma_start3A_46 : memref<10240xi32, #tpu.memory_space<hbm>>) target(%arg7 : memref<10240xi32, #tpu.memory_space<vmem>>) target_semaphore(%run_scoped3A_43 : memref<!tpu.dma_semaphore, #tpu.memory_space<semaphore_mem>>)
        %dma_wait3A = tpu.memref_slice %arg2[%run_scoped3A_41, %multiple_of3A] : memref<2x320000xi32, #tpu.memory_space<hbm>> -> memref<1x10240xi32, #tpu.memory_space<hbm>>
        %dma_wait3A_47 = tpu.memref_squeeze %dma_wait3A : memref<1x10240xi32, #tpu.memory_space<hbm>> -> memref<10240xi32, #tpu.memory_space<hbm>>
        %dma_wait3A_48 = tpu.memref_slice %arg2[%run_scoped3A_41, %multiple_of3A] : memref<2x320000xi32, #tpu.memory_space<hbm>> -> memref<1x10240xi32, #tpu.memory_space<hbm>>
        %dma_wait3A_49 = tpu.memref_squeeze %dma_wait3A_48 : memref<1x10240xi32, #tpu.memory_space<hbm>> -> memref<10240xi32, #tpu.memory_space<hbm>>
        tpu.wait_dma2 semaphore(%run_scoped3A_43 : memref<!tpu.dma_semaphore, #tpu.memory_space<semaphore_mem>>) src(%dma_wait3A_49 : memref<10240xi32, #tpu.memory_space<hbm>>) dst(%arg7 : memref<10240xi32, #tpu.memory_space<vmem>>)
        tpu.yield
      }) : () -> ()
      %run_scoped3A_42 = arith.constant 1 : i32
      "tpu.region"() ({
        %run_scoped3A_43 = tpu.sem_alloc : memref<!tpu.dma_semaphore, #tpu.memory_space<semaphore_mem>>
        %dma_start3A = tpu.memref_slice %arg2[%run_scoped3A_42, %multiple_of3A] : memref<2x320000xi32, #tpu.memory_space<hbm>> -> memref<1x10240xi32, #tpu.memory_space<hbm>>
        %dma_start3A_44 = tpu.memref_squeeze %dma_start3A : memref<1x10240xi32, #tpu.memory_space<hbm>> -> memref<10240xi32, #tpu.memory_space<hbm>>
        %dma_start3A_45 = tpu.memref_slice %arg2[%run_scoped3A_42, %multiple_of3A] : memref<2x320000xi32, #tpu.memory_space<hbm>> -> memref<1x10240xi32, #tpu.memory_space<hbm>>
        %dma_start3A_46 = tpu.memref_squeeze %dma_start3A_45 : memref<1x10240xi32, #tpu.memory_space<hbm>> -> memref<10240xi32, #tpu.memory_space<hbm>>
        tpu.enqueue_dma source(%dma_start3A_46 : memref<10240xi32, #tpu.memory_space<hbm>>) target(%arg8 : memref<10240xi32, #tpu.memory_space<vmem>>) target_semaphore(%run_scoped3A_43 : memref<!tpu.dma_semaphore, #tpu.memory_space<semaphore_mem>>)
        %dma_wait3A = tpu.memref_slice %arg2[%run_scoped3A_42, %multiple_of3A] : memref<2x320000xi32, #tpu.memory_space<hbm>> -> memref<1x10240xi32, #tpu.memory_space<hbm>>
        %dma_wait3A_47 = tpu.memref_squeeze %dma_wait3A : memref<1x10240xi32, #tpu.memory_space<hbm>> -> memref<10240xi32, #tpu.memory_space<hbm>>
        %dma_wait3A_48 = tpu.memref_slice %arg2[%run_scoped3A_42, %multiple_of3A] : memref<2x320000xi32, #tpu.memory_space<hbm>> -> memref<1x10240xi32, #tpu.memory_space<hbm>>
        %dma_wait3A_49 = tpu.memref_squeeze %dma_wait3A_48 : memref<1x10240xi32, #tpu.memory_space<hbm>> -> memref<10240xi32, #tpu.memory_space<hbm>>
        tpu.wait_dma2 semaphore(%run_scoped3A_43 : memref<!tpu.dma_semaphore, #tpu.memory_space<semaphore_mem>>) src(%dma_wait3A_49 : memref<10240xi32, #tpu.memory_space<hbm>>) dst(%arg8 : memref<10240xi32, #tpu.memory_space<vmem>>)
        tpu.yield
      }) : () -> ()
    } else {
    }
    %eq3A = arith.constant 31 : i32
    %eq3A_7 = arith.cmpi eq, %add3A, %eq3A : i32
    %convert_element_type3A_8 = arith.extui %eq3A_7 : i1 to i32
    %cond3A_9 = arith.constant 0 : i32
    %cond3A_10 = arith.cmpi ne, %convert_element_type3A_8, %cond3A_9 : i32
    scf.if %cond3A_10 {
      %run_scoped3A_41 = arith.constant 0 : i32
      "tpu.region"() ({
        %run_scoped3A_43 = tpu.sem_alloc : memref<!tpu.dma_semaphore, #tpu.memory_space<semaphore_mem>>
        %dma_start3A = arith.constant 0 : i32
        %dma_start3A_44 = tpu.memref_slice %arg7[%dma_start3A] : memref<10240xi32, #tpu.memory_space<vmem>> -> memref<2560xi32, #tpu.memory_space<vmem>>
        %dma_start3A_45 = tpu.memref_slice %arg2[%run_scoped3A_41, %multiple_of3A] : memref<2x320000xi32, #tpu.memory_space<hbm>> -> memref<1x2560xi32, #tpu.memory_space<hbm>>
        %dma_start3A_46 = tpu.memref_squeeze %dma_start3A_45 : memref<1x2560xi32, #tpu.memory_space<hbm>> -> memref<2560xi32, #tpu.memory_space<hbm>>
        %dma_start3A_47 = arith.constant 0 : i32
        %dma_start3A_48 = tpu.memref_slice %arg7[%dma_start3A_47] : memref<10240xi32, #tpu.memory_space<vmem>> -> memref<2560xi32, #tpu.memory_space<vmem>>
        %dma_start3A_49 = tpu.memref_slice %arg2[%run_scoped3A_41, %multiple_of3A] : memref<2x320000xi32, #tpu.memory_space<hbm>> -> memref<1x2560xi32, #tpu.memory_space<hbm>>
        %dma_start3A_50 = tpu.memref_squeeze %dma_start3A_49 : memref<1x2560xi32, #tpu.memory_space<hbm>> -> memref<2560xi32, #tpu.memory_space<hbm>>
        tpu.enqueue_dma source(%dma_start3A_50 : memref<2560xi32, #tpu.memory_space<hbm>>) target(%dma_start3A_48 : memref<2560xi32, #tpu.memory_space<vmem>>) target_semaphore(%run_scoped3A_43 : memref<!tpu.dma_semaphore, #tpu.memory_space<semaphore_mem>>)
        %dma_wait3A = arith.constant 0 : i32
        %dma_wait3A_51 = tpu.memref_slice %arg7[%dma_wait3A] : memref<10240xi32, #tpu.memory_space<vmem>> -> memref<2560xi32, #tpu.memory_space<vmem>>
        %dma_wait3A_52 = tpu.memref_slice %arg2[%run_scoped3A_41, %multiple_of3A] : memref<2x320000xi32, #tpu.memory_space<hbm>> -> memref<1x2560xi32, #tpu.memory_space<hbm>>
        %dma_wait3A_53 = tpu.memref_squeeze %dma_wait3A_52 : memref<1x2560xi32, #tpu.memory_space<hbm>> -> memref<2560xi32, #tpu.memory_space<hbm>>
        %dma_wait3A_54 = arith.constant 0 : i32
        %dma_wait3A_55 = tpu.memref_slice %arg7[%dma_wait3A_54] : memref<10240xi32, #tpu.memory_space<vmem>> -> memref<2560xi32, #tpu.memory_space<vmem>>
        %dma_wait3A_56 = tpu.memref_slice %arg2[%run_scoped3A_41, %multiple_of3A] : memref<2x320000xi32, #tpu.memory_space<hbm>> -> memref<1x2560xi32, #tpu.memory_space<hbm>>
        %dma_wait3A_57 = tpu.memref_squeeze %dma_wait3A_56 : memref<1x2560xi32, #tpu.memory_space<hbm>> -> memref<2560xi32, #tpu.memory_space<hbm>>
        tpu.wait_dma2 semaphore(%run_scoped3A_43 : memref<!tpu.dma_semaphore, #tpu.memory_space<semaphore_mem>>) src(%dma_wait3A_57 : memref<2560xi32, #tpu.memory_space<hbm>>) dst(%dma_wait3A_55 : memref<2560xi32, #tpu.memory_space<vmem>>)
        tpu.yield
      }) : () -> ()
      %run_scoped3A_42 = arith.constant 1 : i32
      "tpu.region"() ({
        %run_scoped3A_43 = tpu.sem_alloc : memref<!tpu.dma_semaphore, #tpu.memory_space<semaphore_mem>>
        %dma_start3A = arith.constant 0 : i32
        %dma_start3A_44 = tpu.memref_slice %arg8[%dma_start3A] : memref<10240xi32, #tpu.memory_space<vmem>> -> memref<2560xi32, #tpu.memory_space<vmem>>
        %dma_start3A_45 = tpu.memref_slice %arg2[%run_scoped3A_42, %multiple_of3A] : memref<2x320000xi32, #tpu.memory_space<hbm>> -> memref<1x2560xi32, #tpu.memory_space<hbm>>
        %dma_start3A_46 = tpu.memref_squeeze %dma_start3A_45 : memref<1x2560xi32, #tpu.memory_space<hbm>> -> memref<2560xi32, #tpu.memory_space<hbm>>
        %dma_start3A_47 = arith.constant 0 : i32
        %dma_start3A_48 = tpu.memref_slice %arg8[%dma_start3A_47] : memref<10240xi32, #tpu.memory_space<vmem>> -> memref<2560xi32, #tpu.memory_space<vmem>>
        %dma_start3A_49 = tpu.memref_slice %arg2[%run_scoped3A_42, %multiple_of3A] : memref<2x320000xi32, #tpu.memory_space<hbm>> -> memref<1x2560xi32, #tpu.memory_space<hbm>>
        %dma_start3A_50 = tpu.memref_squeeze %dma_start3A_49 : memref<1x2560xi32, #tpu.memory_space<hbm>> -> memref<2560xi32, #tpu.memory_space<hbm>>
        tpu.enqueue_dma source(%dma_start3A_50 : memref<2560xi32, #tpu.memory_space<hbm>>) target(%dma_start3A_48 : memref<2560xi32, #tpu.memory_space<vmem>>) target_semaphore(%run_scoped3A_43 : memref<!tpu.dma_semaphore, #tpu.memory_space<semaphore_mem>>)
        %dma_wait3A = arith.constant 0 : i32
        %dma_wait3A_51 = tpu.memref_slice %arg8[%dma_wait3A] : memref<10240xi32, #tpu.memory_space<vmem>> -> memref<2560xi32, #tpu.memory_space<vmem>>
        %dma_wait3A_52 = tpu.memref_slice %arg2[%run_scoped3A_42, %multiple_of3A] : memref<2x320000xi32, #tpu.memory_space<hbm>> -> memref<1x2560xi32, #tpu.memory_space<hbm>>
        %dma_wait3A_53 = tpu.memref_squeeze %dma_wait3A_52 : memref<1x2560xi32, #tpu.memory_space<hbm>> -> memref<2560xi32, #tpu.memory_space<hbm>>
        %dma_wait3A_54 = arith.constant 0 : i32
        %dma_wait3A_55 = tpu.memref_slice %arg8[%dma_wait3A_54] : memref<10240xi32, #tpu.memory_space<vmem>> -> memref<2560xi32, #tpu.memory_space<vmem>>
        %dma_wait3A_56 = tpu.memref_slice %arg2[%run_scoped3A_42, %multiple_of3A] : memref<2x320000xi32, #tpu.memory_space<hbm>> -> memref<1x2560xi32, #tpu.memory_space<hbm>>
        %dma_wait3A_57 = tpu.memref_squeeze %dma_wait3A_56 : memref<1x2560xi32, #tpu.memory_space<hbm>> -> memref<2560xi32, #tpu.memory_space<hbm>>
        tpu.wait_dma2 semaphore(%run_scoped3A_43 : memref<!tpu.dma_semaphore, #tpu.memory_space<semaphore_mem>>) src(%dma_wait3A_57 : memref<2560xi32, #tpu.memory_space<hbm>>) dst(%dma_wait3A_55 : memref<2560xi32, #tpu.memory_space<vmem>>)
        tpu.yield
      }) : () -> ()
    } else {
    }
    %run_scoped3A = arith.constant 0 : i32
    %run_scoped3A_11 = arith.constant 0 : i32
    "tpu.region"() ({
      %run_scoped3A_41 = tpu.sem_alloc : memref<!tpu.dma_semaphore, #tpu.memory_space<semaphore_mem>>
      %dma_start3A = arith.constant 0 : i32
      %dma_start3A_42 = tpu.memref_slice %arg10[%run_scoped3A_11, %dma_start3A] : memref<2x640xf32, #tpu.memory_space<vmem>> -> memref<1x640xf32, #tpu.memory_space<vmem>>
      %dma_start3A_43 = tpu.memref_squeeze %dma_start3A_42 : memref<1x640xf32, #tpu.memory_space<vmem>> -> memref<640xf32, #tpu.memory_space<vmem>>
      %dma_start3A_44 = tpu.memref_slice %arg3[%run_scoped3A, %mul3A_4] : memref<1x10240xf32, #tpu.memory_space<hbm>> -> memref<1x640xf32, #tpu.memory_space<hbm>>
      %dma_start3A_45 = tpu.memref_squeeze %dma_start3A_44 : memref<1x640xf32, #tpu.memory_space<hbm>> -> memref<640xf32, #tpu.memory_space<hbm>>
      %dma_start3A_46 = arith.constant 0 : i32
      %dma_start3A_47 = tpu.memref_slice %arg10[%run_scoped3A_11, %dma_start3A_46] : memref<2x640xf32, #tpu.memory_space<vmem>> -> memref<1x640xf32, #tpu.memory_space<vmem>>
      %dma_start3A_48 = tpu.memref_squeeze %dma_start3A_47 : memref<1x640xf32, #tpu.memory_space<vmem>> -> memref<640xf32, #tpu.memory_space<vmem>>
      %dma_start3A_49 = tpu.memref_slice %arg3[%run_scoped3A, %mul3A_4] : memref<1x10240xf32, #tpu.memory_space<hbm>> -> memref<1x640xf32, #tpu.memory_space<hbm>>
      %dma_start3A_50 = tpu.memref_squeeze %dma_start3A_49 : memref<1x640xf32, #tpu.memory_space<hbm>> -> memref<640xf32, #tpu.memory_space<hbm>>
      tpu.enqueue_dma source(%dma_start3A_50 : memref<640xf32, #tpu.memory_space<hbm>>) target(%dma_start3A_48 : memref<640xf32, #tpu.memory_space<vmem>>) target_semaphore(%run_scoped3A_41 : memref<!tpu.dma_semaphore, #tpu.memory_space<semaphore_mem>>)
      %dma_wait3A = arith.constant 0 : i32
      %dma_wait3A_51 = tpu.memref_slice %arg10[%run_scoped3A_11, %dma_wait3A] : memref<2x640xf32, #tpu.memory_space<vmem>> -> memref<1x640xf32, #tpu.memory_space<vmem>>
      %dma_wait3A_52 = tpu.memref_squeeze %dma_wait3A_51 : memref<1x640xf32, #tpu.memory_space<vmem>> -> memref<640xf32, #tpu.memory_space<vmem>>
      %dma_wait3A_53 = tpu.memref_slice %arg3[%run_scoped3A, %mul3A_4] : memref<1x10240xf32, #tpu.memory_space<hbm>> -> memref<1x640xf32, #tpu.memory_space<hbm>>
      %dma_wait3A_54 = tpu.memref_squeeze %dma_wait3A_53 : memref<1x640xf32, #tpu.memory_space<hbm>> -> memref<640xf32, #tpu.memory_space<hbm>>
      %dma_wait3A_55 = arith.constant 0 : i32
      %dma_wait3A_56 = tpu.memref_slice %arg10[%run_scoped3A_11, %dma_wait3A_55] : memref<2x640xf32, #tpu.memory_space<vmem>> -> memref<1x640xf32, #tpu.memory_space<vmem>>
      %dma_wait3A_57 = tpu.memref_squeeze %dma_wait3A_56 : memref<1x640xf32, #tpu.memory_space<vmem>> -> memref<640xf32, #tpu.memory_space<vmem>>
      %dma_wait3A_58 = tpu.memref_slice %arg3[%run_scoped3A, %mul3A_4] : memref<1x10240xf32, #tpu.memory_space<hbm>> -> memref<1x640xf32, #tpu.memory_space<hbm>>
      %dma_wait3A_59 = tpu.memref_squeeze %dma_wait3A_58 : memref<1x640xf32, #tpu.memory_space<hbm>> -> memref<640xf32, #tpu.memory_space<hbm>>
      tpu.wait_dma2 semaphore(%run_scoped3A_41 : memref<!tpu.dma_semaphore, #tpu.memory_space<semaphore_mem>>) src(%dma_wait3A_59 : memref<640xf32, #tpu.memory_space<hbm>>) dst(%dma_wait3A_57 : memref<640xf32, #tpu.memory_space<vmem>>)
      tpu.yield
    }) : () -> ()
    %run_scoped3A_12 = arith.constant 0 : i32
    %run_scoped3A_13 = arith.constant 1 : i32
    "tpu.region"() ({
      %run_scoped3A_41 = tpu.sem_alloc : memref<!tpu.dma_semaphore, #tpu.memory_space<semaphore_mem>>
      %dma_start3A = arith.constant 0 : i32
      %dma_start3A_42 = tpu.memref_slice %arg10[%run_scoped3A_13, %dma_start3A] : memref<2x640xf32, #tpu.memory_space<vmem>> -> memref<1x640xf32, #tpu.memory_space<vmem>>
      %dma_start3A_43 = tpu.memref_squeeze %dma_start3A_42 : memref<1x640xf32, #tpu.memory_space<vmem>> -> memref<640xf32, #tpu.memory_space<vmem>>
      %dma_start3A_44 = tpu.memref_slice %arg4[%run_scoped3A_12, %mul3A_4] : memref<1x10240xf32, #tpu.memory_space<hbm>> -> memref<1x640xf32, #tpu.memory_space<hbm>>
      %dma_start3A_45 = tpu.memref_squeeze %dma_start3A_44 : memref<1x640xf32, #tpu.memory_space<hbm>> -> memref<640xf32, #tpu.memory_space<hbm>>
      %dma_start3A_46 = arith.constant 0 : i32
      %dma_start3A_47 = tpu.memref_slice %arg10[%run_scoped3A_13, %dma_start3A_46] : memref<2x640xf32, #tpu.memory_space<vmem>> -> memref<1x640xf32, #tpu.memory_space<vmem>>
      %dma_start3A_48 = tpu.memref_squeeze %dma_start3A_47 : memref<1x640xf32, #tpu.memory_space<vmem>> -> memref<640xf32, #tpu.memory_space<vmem>>
      %dma_start3A_49 = tpu.memref_slice %arg4[%run_scoped3A_12, %mul3A_4] : memref<1x10240xf32, #tpu.memory_space<hbm>> -> memref<1x640xf32, #tpu.memory_space<hbm>>
      %dma_start3A_50 = tpu.memref_squeeze %dma_start3A_49 : memref<1x640xf32, #tpu.memory_space<hbm>> -> memref<640xf32, #tpu.memory_space<hbm>>
      tpu.enqueue_dma source(%dma_start3A_50 : memref<640xf32, #tpu.memory_space<hbm>>) target(%dma_start3A_48 : memref<640xf32, #tpu.memory_space<vmem>>) target_semaphore(%run_scoped3A_41 : memref<!tpu.dma_semaphore, #tpu.memory_space<semaphore_mem>>)
      %dma_wait3A = arith.constant 0 : i32
      %dma_wait3A_51 = tpu.memref_slice %arg10[%run_scoped3A_13, %dma_wait3A] : memref<2x640xf32, #tpu.memory_space<vmem>> -> memref<1x640xf32, #tpu.memory_space<vmem>>
      %dma_wait3A_52 = tpu.memref_squeeze %dma_wait3A_51 : memref<1x640xf32, #tpu.memory_space<vmem>> -> memref<640xf32, #tpu.memory_space<vmem>>
      %dma_wait3A_53 = tpu.memref_slice %arg4[%run_scoped3A_12, %mul3A_4] : memref<1x10240xf32, #tpu.memory_space<hbm>> -> memref<1x640xf32, #tpu.memory_space<hbm>>
      %dma_wait3A_54 = tpu.memref_squeeze %dma_wait3A_53 : memref<1x640xf32, #tpu.memory_space<hbm>> -> memref<640xf32, #tpu.memory_space<hbm>>
      %dma_wait3A_55 = arith.constant 0 : i32
      %dma_wait3A_56 = tpu.memref_slice %arg10[%run_scoped3A_13, %dma_wait3A_55] : memref<2x640xf32, #tpu.memory_space<vmem>> -> memref<1x640xf32, #tpu.memory_space<vmem>>
      %dma_wait3A_57 = tpu.memref_squeeze %dma_wait3A_56 : memref<1x640xf32, #tpu.memory_space<vmem>> -> memref<640xf32, #tpu.memory_space<vmem>>
      %dma_wait3A_58 = tpu.memref_slice %arg4[%run_scoped3A_12, %mul3A_4] : memref<1x10240xf32, #tpu.memory_space<hbm>> -> memref<1x640xf32, #tpu.memory_space<hbm>>
      %dma_wait3A_59 = tpu.memref_squeeze %dma_wait3A_58 : memref<1x640xf32, #tpu.memory_space<hbm>> -> memref<640xf32, #tpu.memory_space<hbm>>
      tpu.wait_dma2 semaphore(%run_scoped3A_41 : memref<!tpu.dma_semaphore, #tpu.memory_space<semaphore_mem>>) src(%dma_wait3A_59 : memref<640xf32, #tpu.memory_space<hbm>>) dst(%dma_wait3A_57 : memref<640xf32, #tpu.memory_space<vmem>>)
      tpu.yield
    }) : () -> ()
    %scan3A = arith.constant 0 : i32
    %scan3A_14 = arith.constant 0 : i32
    %scan3A_15 = arith.constant 40 : i32
    %scan3A_16 = arith.addi %scan3A_14, %scan3A_15 : i32
    %scan3A_17 = arith.constant 1 : i32
    scf.for %scan3A_41 = %scan3A_14 to %scan3A_16 step %scan3A_17  : i32 {
      %mul3A_42 = arith.constant 16 : i32
      %mul3A_43 = arith.muli %scan3A_41, %mul3A_42 : i32
      %get3A = arith.constant 0 : i32
      %get3A_44 = arith.index_cast %get3A : i32 to index
      %get3A_45 = arith.index_cast %mul3A_43 : i32 to index
      %get3A_46 = tpu.vector_load %arg10[%get3A_44, %get3A_45] {strides = array<i32>} : memref<2x640xf32, #tpu.memory_space<vmem>>, vector<1x16xf32>,
      %get3A_47 = vector.shape_cast %get3A_46 : vector<1x16xf32> to vector<16xf32>
      %get3A_48 = arith.constant 1 : i32
      %get3A_49 = arith.index_cast %get3A_48 : i32 to index
      %get3A_50 = arith.index_cast %mul3A_43 : i32 to index
      %get3A_51 = tpu.vector_load %arg10[%get3A_49, %get3A_50] {strides = array<i32>} : memref<2x640xf32, #tpu.memory_space<vmem>>, vector<1x16xf32>,
      %get3A_52 = vector.shape_cast %get3A_51 : vector<1x16xf32> to vector<16xf32>
      %add3A_53 = arith.addf %get3A_47, %get3A_52 : vector<16xf32>
      %add3A_54 = arith.constant 1.000000e+00 : f32
      %add3A_55 = vector.broadcast %add3A_54 : f32 to vector<16xf32>
      %add3A_56 = arith.addf %add3A_53, %add3A_55 : vector<16xf32>
      %broadcast_in_dim3A = arith.constant 1.000000e+00 : f32
      %broadcast_in_dim3A_57 = vector.broadcast %broadcast_in_dim3A : f32 to vector<16xf32>
      %gt3A = arith.constant 4.000000e+00 : f32
      %gt3A_58 = vector.broadcast %gt3A : f32 to vector<16xf32>
      %gt3A_59 = arith.cmpf ogt, %add3A_56, %gt3A_58 : vector<16xf32>
      %mul3A_60 = arith.constant 2.500000e-01 : f32
      %mul3A_61 = vector.broadcast %mul3A_60 : f32 to vector<16xf32>
      %mul3A_62 = arith.mulf %add3A_56, %mul3A_61 : vector<16xf32>
      %select_n3A = arith.select %gt3A_59, %mul3A_62, %add3A_56 : vector<16xi1>, vector<16xf32>
      %mul3A_63 = arith.constant 5.000000e-01 : f32
      %mul3A_64 = vector.broadcast %mul3A_63 : f32 to vector<16xf32>
      %mul3A_65 = arith.mulf %broadcast_in_dim3A_57, %mul3A_64 : vector<16xf32>
      %select_n3A_66 = arith.select %gt3A_59, %mul3A_65, %broadcast_in_dim3A_57 : vector<16xi1>, vector<16xf32>
      %gt3A_67 = arith.constant 4.000000e+00 : f32
      %gt3A_68 = vector.broadcast %gt3A_67 : f32 to vector<16xf32>
      %gt3A_69 = arith.cmpf ogt, %select_n3A, %gt3A_68 : vector<16xf32>
      %mul3A_70 = arith.constant 2.500000e-01 : f32
      %mul3A_71 = vector.broadcast %mul3A_70 : f32 to vector<16xf32>
      %mul3A_72 = arith.mulf %select_n3A, %mul3A_71 : vector<16xf32>
      %select_n3A_73 = arith.select %gt3A_69, %mul3A_72, %select_n3A : vector<16xi1>, vector<16xf32>
      %mul3A_74 = arith.constant 5.000000e-01 : f32
      %mul3A_75 = vector.broadcast %mul3A_74 : f32 to vector<16xf32>
      %mul3A_76 = arith.mulf %select_n3A_66, %mul3A_75 : vector<16xf32>
      %select_n3A_77 = arith.select %gt3A_69, %mul3A_76, %select_n3A_66 : vector<16xi1>, vector<16xf32>
      %gt3A_78 = arith.constant 4.000000e+00 : f32
      %gt3A_79 = vector.broadcast %gt3A_78 : f32 to vector<16xf32>
      %gt3A_80 = arith.cmpf ogt, %select_n3A_73, %gt3A_79 : vector<16xf32>
      %mul3A_81 = arith.constant 2.500000e-01 : f32
      %mul3A_82 = vector.broadcast %mul3A_81 : f32 to vector<16xf32>
      %mul3A_83 = arith.mulf %select_n3A_73, %mul3A_82 : vector<16xf32>
      %select_n3A_84 = arith.select %gt3A_80, %mul3A_83, %select_n3A_73 : vector<16xi1>, vector<16xf32>
      %mul3A_85 = arith.constant 5.000000e-01 : f32
      %mul3A_86 = vector.broadcast %mul3A_85 : f32 to vector<16xf32>
      %mul3A_87 = arith.mulf %select_n3A_77, %mul3A_86 : vector<16xf32>
      %select_n3A_88 = arith.select %gt3A_80, %mul3A_87, %select_n3A_77 : vector<16xi1>, vector<16xf32>
      %gt3A_89 = arith.constant 4.000000e+00 : f32
      %gt3A_90 = vector.broadcast %gt3A_89 : f32 to vector<16xf32>
      %gt3A_91 = arith.cmpf ogt, %select_n3A_84, %gt3A_90 : vector<16xf32>
      %mul3A_92 = arith.constant 2.500000e-01 : f32
      %mul3A_93 = vector.broadcast %mul3A_92 : f32 to vector<16xf32>
      %mul3A_94 = arith.mulf %select_n3A_84, %mul3A_93 : vector<16xf32>
      %select_n3A_95 = arith.select %gt3A_91, %mul3A_94, %select_n3A_84 : vector<16xi1>, vector<16xf32>
      %mul3A_96 = arith.constant 5.000000e-01 : f32
      %mul3A_97 = vector.broadcast %mul3A_96 : f32 to vector<16xf32>
      %mul3A_98 = arith.mulf %select_n3A_88, %mul3A_97 : vector<16xf32>
      %select_n3A_99 = arith.select %gt3A_91, %mul3A_98, %select_n3A_88 : vector<16xi1>, vector<16xf32>
      %gt3A_100 = arith.constant 4.000000e+00 : f32
      %gt3A_101 = vector.broadcast %gt3A_100 : f32 to vector<16xf32>
      %gt3A_102 = arith.cmpf ogt, %select_n3A_95, %gt3A_101 : vector<16xf32>
      %mul3A_103 = arith.constant 2.500000e-01 : f32
      %mul3A_104 = vector.broadcast %mul3A_103 : f32 to vector<16xf32>
      %mul3A_105 = arith.mulf %select_n3A_95, %mul3A_104 : vector<16xf32>
      %select_n3A_106 = arith.select %gt3A_102, %mul3A_105, %select_n3A_95 : vector<16xi1>, vector<16xf32>
      %mul3A_107 = arith.constant 5.000000e-01 : f32
      %mul3A_108 = vector.broadcast %mul3A_107 : f32 to vector<16xf32>
      %mul3A_109 = arith.mulf %select_n3A_99, %mul3A_108 : vector<16xf32>
      %select_n3A_110 = arith.select %gt3A_102, %mul3A_109, %select_n3A_99 : vector<16xi1>, vector<16xf32>
      %gt3A_111 = arith.constant 4.000000e+00 : f32
      %gt3A_112 = vector.broadcast %gt3A_111 : f32 to vector<16xf32>
      %gt3A_113 = arith.cmpf ogt, %select_n3A_106, %gt3A_112 : vector<16xf32>
      %mul3A_114 = arith.constant 2.500000e-01 : f32
      %mul3A_115 = vector.broadcast %mul3A_114 : f32 to vector<16xf32>
      %mul3A_116 = arith.mulf %select_n3A_106, %mul3A_115 : vector<16xf32>
      %select_n3A_117 = arith.select %gt3A_113, %mul3A_116, %select_n3A_106 : vector<16xi1>, vector<16xf32>
      %mul3A_118 = arith.constant 5.000000e-01 : f32
      %mul3A_119 = vector.broadcast %mul3A_118 : f32 to vector<16xf32>
      %mul3A_120 = arith.mulf %select_n3A_110, %mul3A_119 : vector<16xf32>
      %select_n3A_121 = arith.select %gt3A_113, %mul3A_120, %select_n3A_110 : vector<16xi1>, vector<16xf32>
      %gt3A_122 = arith.constant 4.000000e+00 : f32
      %gt3A_123 = vector.broadcast %gt3A_122 : f32 to vector<16xf32>
      %gt3A_124 = arith.cmpf ogt, %select_n3A_117, %gt3A_123 : vector<16xf32>
      %mul3A_125 = arith.constant 2.500000e-01 : f32
      %mul3A_126 = vector.broadcast %mul3A_125 : f32 to vector<16xf32>
      %mul3A_127 = arith.mulf %select_n3A_117, %mul3A_126 : vector<16xf32>
      %select_n3A_128 = arith.select %gt3A_124, %mul3A_127, %select_n3A_117 : vector<16xi1>, vector<16xf32>
      %mul3A_129 = arith.constant 5.000000e-01 : f32
      %mul3A_130 = vector.broadcast %mul3A_129 : f32 to vector<16xf32>
      %mul3A_131 = arith.mulf %select_n3A_121, %mul3A_130 : vector<16xf32>
      %select_n3A_132 = arith.select %gt3A_124, %mul3A_131, %select_n3A_121 : vector<16xi1>, vector<16xf32>
      %gt3A_133 = arith.constant 4.000000e+00 : f32
      %gt3A_134 = vector.broadcast %gt3A_133 : f32 to vector<16xf32>
      %gt3A_135 = arith.cmpf ogt, %select_n3A_128, %gt3A_134 : vector<16xf32>
      %mul3A_136 = arith.constant 2.500000e-01 : f32
      %mul3A_137 = vector.broadcast %mul3A_136 : f32 to vector<16xf32>
      %mul3A_138 = arith.mulf %select_n3A_128, %mul3A_137 : vector<16xf32>
      %select_n3A_139 = arith.select %gt3A_135, %mul3A_138, %select_n3A_128 : vector<16xi1>, vector<16xf32>
      %mul3A_140 = arith.constant 5.000000e-01 : f32
      %mul3A_141 = vector.broadcast %mul3A_140 : f32 to vector<16xf32>
      %mul3A_142 = arith.mulf %select_n3A_132, %mul3A_141 : vector<16xf32>
      %select_n3A_143 = arith.select %gt3A_135, %mul3A_142, %select_n3A_132 : vector<16xi1>, vector<16xf32>
      %gt3A_144 = arith.constant 4.000000e+00 : f32
      %gt3A_145 = vector.broadcast %gt3A_144 : f32 to vector<16xf32>
      %gt3A_146 = arith.cmpf ogt, %select_n3A_139, %gt3A_145 : vector<16xf32>
      %mul3A_147 = arith.constant 2.500000e-01 : f32
      %mul3A_148 = vector.broadcast %mul3A_147 : f32 to vector<16xf32>
      %mul3A_149 = arith.mulf %select_n3A_139, %mul3A_148 : vector<16xf32>
      %select_n3A_150 = arith.select %gt3A_146, %mul3A_149, %select_n3A_139 : vector<16xi1>, vector<16xf32>
      %mul3A_151 = arith.constant 5.000000e-01 : f32
      %mul3A_152 = vector.broadcast %mul3A_151 : f32 to vector<16xf32>
      %mul3A_153 = arith.mulf %select_n3A_143, %mul3A_152 : vector<16xf32>
      %select_n3A_154 = arith.select %gt3A_146, %mul3A_153, %select_n3A_143 : vector<16xi1>, vector<16xf32>
      %mul3A_155 = arith.constant 0.699999988 : f32
      %mul3A_156 = vector.broadcast %mul3A_155 : f32 to vector<16xf32>
      %mul3A_157 = arith.mulf %select_n3A_154, %mul3A_156 : vector<16xf32>
      %mul3A_158 = arith.constant 5.000000e-01 : f32
      %mul3A_159 = vector.broadcast %mul3A_158 : f32 to vector<16xf32>
      %mul3A_160 = arith.mulf %mul3A_159, %add3A_56 : vector<16xf32>
      %mul3A_161 = arith.mulf %mul3A_160, %mul3A_157 : vector<16xf32>
      %mul3A_162 = arith.mulf %mul3A_161, %mul3A_157 : vector<16xf32>
      %sub3A = arith.constant 1.500000e+00 : f32
      %sub3A_163 = vector.broadcast %sub3A : f32 to vector<16xf32>
      %sub3A_164 = arith.subf %sub3A_163, %mul3A_162 : vector<16xf32>
      %mul3A_165 = arith.mulf %mul3A_157, %sub3A_164 : vector<16xf32>
      %mul3A_166 = arith.mulf %mul3A_160, %mul3A_165 : vector<16xf32>
      %mul3A_167 = arith.mulf %mul3A_166, %mul3A_165 : vector<16xf32>
      %sub3A_168 = arith.constant 1.500000e+00 : f32
      %sub3A_169 = vector.broadcast %sub3A_168 : f32 to vector<16xf32>
      %sub3A_170 = arith.subf %sub3A_169, %mul3A_167 : vector<16xf32>
      %mul3A_171 = arith.mulf %mul3A_165, %sub3A_170 : vector<16xf32>
      %mul3A_172 = arith.mulf %mul3A_160, %mul3A_171 : vector<16xf32>
      %mul3A_173 = arith.mulf %mul3A_172, %mul3A_171 : vector<16xf32>
      %sub3A_174 = arith.constant 1.500000e+00 : f32
      %sub3A_175 = vector.broadcast %sub3A_174 : f32 to vector<16xf32>
      %sub3A_176 = arith.subf %sub3A_175, %mul3A_173 : vector<16xf32>
      %mul3A_177 = arith.mulf %mul3A_171, %sub3A_176 : vector<16xf32>
      %mul3A_178 = arith.mulf %mul3A_160, %mul3A_177 : vector<16xf32>
      %mul3A_179 = arith.mulf %mul3A_178, %mul3A_177 : vector<16xf32>
      %sub3A_180 = arith.constant 1.500000e+00 : f32
      %sub3A_181 = vector.broadcast %sub3A_180 : f32 to vector<16xf32>
      %sub3A_182 = arith.subf %sub3A_181, %mul3A_179 : vector<16xf32>
      %mul3A_183 = arith.mulf %mul3A_177, %sub3A_182 : vector<16xf32>
      %mul3A_184 = arith.mulf %mul3A_160, %mul3A_183 : vector<16xf32>
      %mul3A_185 = arith.mulf %mul3A_184, %mul3A_183 : vector<16xf32>
      %sub3A_186 = arith.constant 1.500000e+00 : f32
      %sub3A_187 = vector.broadcast %sub3A_186 : f32 to vector<16xf32>
      %sub3A_188 = arith.subf %sub3A_187, %mul3A_185 : vector<16xf32>
      %mul3A_189 = arith.mulf %mul3A_183, %sub3A_188 : vector<16xf32>
      %swap3A = arith.index_cast %mul3A_43 : i32 to index
      %swap3A_190 = tpu.vector_load %arg11[%swap3A] {strides = array<i32>} : memref<640xf32, #tpu.memory_space<vmem>>, vector<16xf32>,
      %swap3A_191 = vector.shape_cast %swap3A_190 : vector<16xf32> to vector<16xf32>
      %swap3A_192 = vector.shape_cast %mul3A_189 : vector<16xf32> to vector<16xf32>
      tpu.vector_store %arg11[%swap3A], %swap3A_192 {strides = array<i32>} : memref<640xf32, #tpu.memory_space<vmem>>, vector<16xf32>,
    }
    %scan3A_18 = arith.constant 40 : i32
    "tpu.region"() ({
      %run_scoped3A_41 = tpu.sem_alloc : memref<!tpu.dma_semaphore, #tpu.memory_space<semaphore_mem>>
      %dma_start3A = tpu.memref_slice %arg12[%mul3A_4] : memref<10240xf32, #tpu.memory_space<vmem_shared>> -> memref<640xf32, #tpu.memory_space<vmem_shared>>
      %dma_start3A_42 = tpu.memref_slice %arg12[%mul3A_4] : memref<10240xf32, #tpu.memory_space<vmem_shared>> -> memref<640xf32, #tpu.memory_space<vmem_shared>>
      tpu.enqueue_dma source(%arg11 : memref<640xf32, #tpu.memory_space<vmem>>) target(%dma_start3A_42 : memref<640xf32, #tpu.memory_space<vmem_shared>>) target_semaphore(%run_scoped3A_41 : memref<!tpu.dma_semaphore, #tpu.memory_space<semaphore_mem>>)
      %dma_wait3A = tpu.memref_slice %arg12[%mul3A_4] : memref<10240xf32, #tpu.memory_space<vmem_shared>> -> memref<640xf32, #tpu.memory_space<vmem_shared>>
      %dma_wait3A_43 = tpu.memref_slice %arg12[%mul3A_4] : memref<10240xf32, #tpu.memory_space<vmem_shared>> -> memref<640xf32, #tpu.memory_space<vmem_shared>>
      tpu.wait_dma2 semaphore(%run_scoped3A_41 : memref<!tpu.dma_semaphore, #tpu.memory_space<semaphore_mem>>) src(%arg11 : memref<640xf32, #tpu.memory_space<vmem>>) dst(%dma_wait3A_43 : memref<640xf32, #tpu.memory_space<vmem_shared>>)
      tpu.yield
    }) : () -> ()
    %scan3A_19 = arith.constant 0 : i32
    %scan3A_20 = arith.constant 0 : i32
    %scan3A_21 = arith.constant 40 : i32
    %scan3A_22 = arith.addi %scan3A_20, %scan3A_21 : i32
    %scan3A_23 = arith.constant 1 : i32
    scf.for %scan3A_41 = %scan3A_20 to %scan3A_22 step %scan3A_23  : i32 {
      %broadcast_in_dim3A = arith.constant 0.000000e+00 : f32
      %broadcast_in_dim3A_42 = vector.broadcast %broadcast_in_dim3A : f32 to vector<16xf32>
      %mul3A_43 = arith.constant 16 : i32
      %mul3A_44 = arith.muli %scan3A_41, %mul3A_43 : i32
      %swap3A = arith.index_cast %mul3A_44 : i32 to index
      %swap3A_45 = tpu.vector_load %arg11[%swap3A] {strides = array<i32>} : memref<640xf32, #tpu.memory_space<vmem>>, vector<16xf32>,
      %swap3A_46 = vector.shape_cast %swap3A_45 : vector<16xf32> to vector<16xf32>
      %swap3A_47 = vector.shape_cast %broadcast_in_dim3A_42 : vector<16xf32> to vector<16xf32>
      tpu.vector_store %arg11[%swap3A], %swap3A_47 {strides = array<i32>} : memref<640xf32, #tpu.memory_space<vmem>>, vector<16xf32>,
    }
    %scan3A_24 = arith.constant 40 : i32
    "tpu.region"() ({
      %run_scoped3A_41 = tpu.sem_alloc : memref<!tpu.dma_semaphore, #tpu.memory_space<semaphore_mem>>
      %dma_start3A = tpu.memref_slice %arg13[%mul3A_4] : memref<10240xf32, #tpu.memory_space<vmem_shared>> -> memref<640xf32, #tpu.memory_space<vmem_shared>>
      %dma_start3A_42 = tpu.memref_slice %arg13[%mul3A_4] : memref<10240xf32, #tpu.memory_space<vmem_shared>> -> memref<640xf32, #tpu.memory_space<vmem_shared>>
      tpu.enqueue_dma source(%arg11 : memref<640xf32, #tpu.memory_space<vmem>>) target(%dma_start3A_42 : memref<640xf32, #tpu.memory_space<vmem_shared>>) target_semaphore(%run_scoped3A_41 : memref<!tpu.dma_semaphore, #tpu.memory_space<semaphore_mem>>)
      %dma_wait3A = tpu.memref_slice %arg13[%mul3A_4] : memref<10240xf32, #tpu.memory_space<vmem_shared>> -> memref<640xf32, #tpu.memory_space<vmem_shared>>
      %dma_wait3A_43 = tpu.memref_slice %arg13[%mul3A_4] : memref<10240xf32, #tpu.memory_space<vmem_shared>> -> memref<640xf32, #tpu.memory_space<vmem_shared>>
      tpu.wait_dma2 semaphore(%run_scoped3A_41 : memref<!tpu.dma_semaphore, #tpu.memory_space<semaphore_mem>>) src(%arg11 : memref<640xf32, #tpu.memory_space<vmem>>) dst(%dma_wait3A_43 : memref<640xf32, #tpu.memory_space<vmem_shared>>)
      tpu.yield
    }) : () -> ()
    %barrier3A = arith.constant 0 : index
    tpu.barrier barrier_id(%barrier3A)
    %lt3A_25 = arith.constant 31 : i32
    %lt3A_26 = arith.cmpi slt, %add3A, %lt3A_25 : i32
    %convert_element_type3A_27 = arith.extui %lt3A_26 : i1 to i32
    %cond3A_28 = arith.constant 0 : i32
    %cond3A_29 = arith.cmpi ne, %convert_element_type3A_27, %cond3A_28 : i32
    scf.if %cond3A_29 {
      "tpu.region"() ({
        %run_scoped3A_41 = tpu.sem_alloc : memref<!tpu.dma_semaphore, #tpu.memory_space<semaphore_mem>>
        %dma_start3A = arith.constant 0 : i32
        %dma_start3A_42 = tpu.memref_slice %arg12[%dma_start3A] : memref<10240xf32, #tpu.memory_space<vmem_shared>> -> memref<10240xf32, #tpu.memory_space<vmem_shared>>
        tpu.enqueue_indirect_dma source(%dma_start3A_42 : memref<10240xf32, #tpu.memory_space<vmem_shared>>) target(%arg9 : memref<10240xf32, #tpu.memory_space<vmem>>) offsets(%arg8 : memref<10240xi32, #tpu.memory_space<vmem>>) semaphore(%run_scoped3A_41 : memref<!tpu.dma_semaphore, #tpu.memory_space<semaphore_mem>>)
        %dma_wait3A = arith.constant 0 : i32
        %dma_wait3A_43 = tpu.memref_slice %arg12[%dma_wait3A] : memref<10240xf32, #tpu.memory_space<vmem_shared>> -> memref<10240xf32, #tpu.memory_space<vmem_shared>>
        tpu.wait_indirect_dma semaphore(%run_scoped3A_41 : memref<!tpu.dma_semaphore, #tpu.memory_space<semaphore_mem>>) src(%dma_wait3A_43 : memref<10240xf32, #tpu.memory_space<vmem_shared>>) dst(%arg9 : memref<10240xf32, #tpu.memory_space<vmem>>)
        tpu.yield
      }) : () -> ()
      "tpu.region"() ({
        %run_scoped3A_41 = tpu.sem_alloc : memref<!tpu.dma_semaphore, #tpu.memory_space<semaphore_mem>>
        %dma_start3A = arith.constant 0 : i32
        %dma_start3A_42 = tpu.memref_slice %arg13[%dma_start3A] : memref<10240xf32, #tpu.memory_space<vmem_shared>> -> memref<10240xf32, #tpu.memory_space<vmem_shared>>
        tpu.enqueue_indirect_dma source(%arg9 : memref<10240xf32, #tpu.memory_space<vmem>>) target(%dma_start3A_42 : memref<10240xf32, #tpu.memory_space<vmem_shared>>) offsets(%arg7 : memref<10240xi32, #tpu.memory_space<vmem>>) semaphore(%run_scoped3A_41 : memref<!tpu.dma_semaphore, #tpu.memory_space<semaphore_mem>>) {add = true}
        %dma_wait3A = arith.constant 0 : i32
        %dma_wait3A_43 = tpu.memref_slice %arg13[%dma_wait3A] : memref<10240xf32, #tpu.memory_space<vmem_shared>> -> memref<10240xf32, #tpu.memory_space<vmem_shared>>
        tpu.wait_indirect_dma semaphore(%run_scoped3A_41 : memref<!tpu.dma_semaphore, #tpu.memory_space<semaphore_mem>>) src(%arg9 : memref<10240xf32, #tpu.memory_space<vmem>>) dst(%dma_wait3A_43 : memref<10240xf32, #tpu.memory_space<vmem_shared>>)
        tpu.yield
      }) : () -> ()
    } else {
    }
    %eq3A_30 = arith.constant 31 : i32
    %eq3A_31 = arith.cmpi eq, %add3A, %eq3A_30 : i32
    %convert_element_type3A_32 = arith.extui %eq3A_31 : i1 to i32
    %cond3A_33 = arith.constant 0 : i32
    %cond3A_34 = arith.cmpi ne, %convert_element_type3A_32, %cond3A_33 : i32
    scf.if %cond3A_34 {
      "tpu.region"() ({
        %run_scoped3A_41 = tpu.sem_alloc : memref<!tpu.dma_semaphore, #tpu.memory_space<semaphore_mem>>
        %dma_start3A = arith.constant 0 : i32
        %dma_start3A_42 = tpu.memref_slice %arg9[%dma_start3A] : memref<10240xf32, #tpu.memory_space<vmem>> -> memref<2560xf32, #tpu.memory_space<vmem>>
        %dma_start3A_43 = arith.constant 0 : i32
        %dma_start3A_44 = tpu.memref_slice %arg8[%dma_start3A_43] : memref<10240xi32, #tpu.memory_space<vmem>> -> memref<2560xi32, #tpu.memory_space<vmem>>
        %dma_start3A_45 = arith.constant 0 : i32
        %dma_start3A_46 = tpu.memref_slice %arg12[%dma_start3A_45] : memref<10240xf32, #tpu.memory_space<vmem_shared>> -> memref<10240xf32, #tpu.memory_space<vmem_shared>>
        tpu.enqueue_indirect_dma source(%dma_start3A_46 : memref<10240xf32, #tpu.memory_space<vmem_shared>>) target(%dma_start3A_42 : memref<2560xf32, #tpu.memory_space<vmem>>) offsets(%dma_start3A_44 : memref<2560xi32, #tpu.memory_space<vmem>>) semaphore(%run_scoped3A_41 : memref<!tpu.dma_semaphore, #tpu.memory_space<semaphore_mem>>)
        %dma_wait3A = arith.constant 0 : i32
        %dma_wait3A_47 = tpu.memref_slice %arg9[%dma_wait3A] : memref<10240xf32, #tpu.memory_space<vmem>> -> memref<2560xf32, #tpu.memory_space<vmem>>
        %dma_wait3A_48 = arith.constant 0 : i32
        %dma_wait3A_49 = tpu.memref_slice %arg8[%dma_wait3A_48] : memref<10240xi32, #tpu.memory_space<vmem>> -> memref<2560xi32, #tpu.memory_space<vmem>>
        %dma_wait3A_50 = arith.constant 0 : i32
        %dma_wait3A_51 = tpu.memref_slice %arg12[%dma_wait3A_50] : memref<10240xf32, #tpu.memory_space<vmem_shared>> -> memref<10240xf32, #tpu.memory_space<vmem_shared>>
        tpu.wait_indirect_dma semaphore(%run_scoped3A_41 : memref<!tpu.dma_semaphore, #tpu.memory_space<semaphore_mem>>) src(%dma_wait3A_51 : memref<10240xf32, #tpu.memory_space<vmem_shared>>) dst(%dma_wait3A_47 : memref<2560xf32, #tpu.memory_space<vmem>>)
        tpu.yield
      }) : () -> ()
      "tpu.region"() ({
        %run_scoped3A_41 = tpu.sem_alloc : memref<!tpu.dma_semaphore, #tpu.memory_space<semaphore_mem>>
        %dma_start3A = arith.constant 0 : i32
        %dma_start3A_42 = tpu.memref_slice %arg9[%dma_start3A] : memref<10240xf32, #tpu.memory_space<vmem>> -> memref<2560xf32, #tpu.memory_space<vmem>>
        %dma_start3A_43 = arith.constant 0 : i32
        %dma_start3A_44 = tpu.memref_slice %arg7[%dma_start3A_43] : memref<10240xi32, #tpu.memory_space<vmem>> -> memref<2560xi32, #tpu.memory_space<vmem>>
        %dma_start3A_45 = arith.constant 0 : i32
        %dma_start3A_46 = tpu.memref_slice %arg13[%dma_start3A_45] : memref<10240xf32, #tpu.memory_space<vmem_shared>> -> memref<10240xf32, #tpu.memory_space<vmem_shared>>
        tpu.enqueue_indirect_dma source(%dma_start3A_42 : memref<2560xf32, #tpu.memory_space<vmem>>) target(%dma_start3A_46 : memref<10240xf32, #tpu.memory_space<vmem_shared>>) offsets(%dma_start3A_44 : memref<2560xi32, #tpu.memory_space<vmem>>) semaphore(%run_scoped3A_41 : memref<!tpu.dma_semaphore, #tpu.memory_space<semaphore_mem>>) {add = true}
        %dma_wait3A = arith.constant 0 : i32
        %dma_wait3A_47 = tpu.memref_slice %arg9[%dma_wait3A] : memref<10240xf32, #tpu.memory_space<vmem>> -> memref<2560xf32, #tpu.memory_space<vmem>>
        %dma_wait3A_48 = arith.constant 0 : i32
        %dma_wait3A_49 = tpu.memref_slice %arg7[%dma_wait3A_48] : memref<10240xi32, #tpu.memory_space<vmem>> -> memref<2560xi32, #tpu.memory_space<vmem>>
        %dma_wait3A_50 = arith.constant 0 : i32
        %dma_wait3A_51 = tpu.memref_slice %arg13[%dma_wait3A_50] : memref<10240xf32, #tpu.memory_space<vmem_shared>> -> memref<10240xf32, #tpu.memory_space<vmem_shared>>
        tpu.wait_indirect_dma semaphore(%run_scoped3A_41 : memref<!tpu.dma_semaphore, #tpu.memory_space<semaphore_mem>>) src(%dma_wait3A_47 : memref<2560xf32, #tpu.memory_space<vmem>>) dst(%dma_wait3A_51 : memref<10240xf32, #tpu.memory_space<vmem_shared>>)
        tpu.yield
      }) : () -> ()
    } else {
    }
    %barrier3A_35 = arith.constant 0 : index
    tpu.barrier barrier_id(%barrier3A_35)
    %eq3A_36 = arith.constant 0 : i32
    %eq3A_37 = arith.cmpi eq, %arg1, %eq3A_36 : i32
    %convert_element_type3A_38 = arith.extui %eq3A_37 : i1 to i32
    %cond3A_39 = arith.constant 0 : i32
    %cond3A_40 = arith.cmpi ne, %convert_element_type3A_38, %cond3A_39 : i32
    scf.if %cond3A_40 {
      %eq3A_41 = arith.constant 0 : i32
      %eq3A_42 = arith.cmpi eq, %arg0, %eq3A_41 : i32
      %convert_element_type3A_43 = arith.extui %eq3A_42 : i1 to i32
      %cond3A_44 = arith.constant 0 : i32
      %cond3A_45 = arith.cmpi ne, %convert_element_type3A_43, %cond3A_44 : i32
      scf.if %cond3A_45 {
        %run_scoped3A_51 = arith.constant 0 : i32
        "tpu.region"() ({
          %run_scoped3A_52 = tpu.sem_alloc : memref<!tpu.dma_semaphore, #tpu.memory_space<semaphore_mem>>
          %dma_start3A = arith.constant 0 : i32
          %dma_start3A_53 = tpu.memref_slice %arg5[%run_scoped3A_51, %dma_start3A] : memref<1x10240xf32, #tpu.memory_space<hbm>> -> memref<1x10240xf32, #tpu.memory_space<hbm>>
          %dma_start3A_54 = tpu.memref_squeeze %dma_start3A_53 : memref<1x10240xf32, #tpu.memory_space<hbm>> -> memref<10240xf32, #tpu.memory_space<hbm>>
          tpu.enqueue_dma source(%arg13 : memref<10240xf32, #tpu.memory_space<vmem_shared>>) target(%dma_start3A_54 : memref<10240xf32, #tpu.memory_space<hbm>>) target_semaphore(%run_scoped3A_52 : memref<!tpu.dma_semaphore, #tpu.memory_space<semaphore_mem>>)
          %dma_wait3A = arith.constant 0 : i32
          %dma_wait3A_55 = tpu.memref_slice %arg5[%run_scoped3A_51, %dma_wait3A] : memref<1x10240xf32, #tpu.memory_space<hbm>> -> memref<1x10240xf32, #tpu.memory_space<hbm>>
          %dma_wait3A_56 = tpu.memref_squeeze %dma_wait3A_55 : memref<1x10240xf32, #tpu.memory_space<hbm>> -> memref<10240xf32, #tpu.memory_space<hbm>>
          tpu.wait_dma2 semaphore(%run_scoped3A_52 : memref<!tpu.dma_semaphore, #tpu.memory_space<semaphore_mem>>) src(%arg13 : memref<10240xf32, #tpu.memory_space<vmem_shared>>) dst(%dma_wait3A_56 : memref<10240xf32, #tpu.memory_space<hbm>>)
          tpu.yield
        }) : () -> ()
      } else {
      }
      %eq3A_46 = arith.constant 1 : i32
      %eq3A_47 = arith.cmpi eq, %arg0, %eq3A_46 : i32
      %convert_element_type3A_48 = arith.extui %eq3A_47 : i1 to i32
      %cond3A_49 = arith.constant 0 : i32
      %cond3A_50 = arith.cmpi ne, %convert_element_type3A_48, %cond3A_49 : i32
      scf.if %cond3A_50 {
        %run_scoped3A_51 = arith.constant 0 : i32
        "tpu.region"() ({
          %run_scoped3A_52 = tpu.sem_alloc : memref<!tpu.dma_semaphore, #tpu.memory_space<semaphore_mem>>
          %dma_start3A = arith.constant 0 : i32
          %dma_start3A_53 = tpu.memref_slice %arg6[%run_scoped3A_51, %dma_start3A] : memref<1x10240xf32, #tpu.memory_space<hbm>> -> memref<1x10240xf32, #tpu.memory_space<hbm>>
          %dma_start3A_54 = tpu.memref_squeeze %dma_start3A_53 : memref<1x10240xf32, #tpu.memory_space<hbm>> -> memref<10240xf32, #tpu.memory_space<hbm>>
          tpu.enqueue_dma source(%arg13 : memref<10240xf32, #tpu.memory_space<vmem_shared>>) target(%dma_start3A_54 : memref<10240xf32, #tpu.memory_space<hbm>>) target_semaphore(%run_scoped3A_52 : memref<!tpu.dma_semaphore, #tpu.memory_space<semaphore_mem>>)
          %dma_wait3A = arith.constant 0 : i32
          %dma_wait3A_55 = tpu.memref_slice %arg6[%run_scoped3A_51, %dma_wait3A] : memref<1x10240xf32, #tpu.memory_space<hbm>> -> memref<1x10240xf32, #tpu.memory_space<hbm>>
          %dma_wait3A_56 = tpu.memref_squeeze %dma_wait3A_55 : memref<1x10240xf32, #tpu.memory_space<hbm>> -> memref<10240xf32, #tpu.memory_space<hbm>>
          tpu.wait_dma2 semaphore(%run_scoped3A_52 : memref<!tpu.dma_semaphore, #tpu.memory_space<semaphore_mem>>) src(%arg13 : memref<10240xf32, #tpu.memory_space<vmem_shared>>) dst(%dma_wait3A_56 : memref<10240xf32, #tpu.memory_space<hbm>>)
          tpu.yield
        }) : () -> ()
      } else {
      }
    } else {
    }
    return
  }
}

#map = affine_map<(d0, d1) -> (0, 0)>
#map1 = affine_map<(d0, d1) -> (0)>
module attributes {stable_mosaic.version = 14 : i64} {
  func.func @_deg_body(%arg0: i32, %arg1: i32, %arg2: memref<2x320000xi32, #tpu.memory_space<hbm>>, %arg3: memref<10240xf32, #tpu.memory_space<hbm>>, %arg4: memref<1x10240xf32, #tpu.memory_space<hbm>>, %arg5: memref<1x10240xf32, #tpu.memory_space<hbm>>, %arg6: memref<10240xi32, #tpu.memory_space<vmem>>, %arg7: memref<10240xf32, #tpu.memory_space<vmem>>, %arg8: memref<640xf32, #tpu.memory_space<vmem>>, %arg9: memref<10240xf32, #tpu.memory_space<vmem_shared>>) attributes {dimension_semantics = [#tpu.dimension_semantics<core_parallel>, #tpu.dimension_semantics<subcore_parallel>], iteration_bounds = array<i64: 2, 16>, scalar_prefetch = 0 : i64, scratch_operands = 4 : i64, tpu.core_type = #tpu.core_type<sc_vector_subcore>, window_params = [{transform_indices = #map}, {transform_indices = #map1}, {transform_indices = #map}, {transform_indices = #map}]} {
    %mul3A = arith.constant 16 : i32
    %mul3A_0 = arith.muli %arg0, %mul3A : i32
    %add3A = arith.addi %mul3A_0, %arg1 : i32
    %mul3A_1 = arith.constant 10240 : i32
    %mul3A_2 = arith.muli %add3A, %mul3A_1 : i32
    %multiple_of3A = tpu.assume_multiple %mul3A_2, 128 : i32
    "tpu.region"() ({
      %run_scoped3A = tpu.sem_alloc : memref<!tpu.dma_semaphore, #tpu.memory_space<semaphore_mem>>
      tpu.enqueue_dma source(%arg3 : memref<10240xf32, #tpu.memory_space<hbm>>) target(%arg7 : memref<10240xf32, #tpu.memory_space<vmem>>) target_semaphore(%run_scoped3A : memref<!tpu.dma_semaphore, #tpu.memory_space<semaphore_mem>>)
      tpu.wait_dma2 semaphore(%run_scoped3A : memref<!tpu.dma_semaphore, #tpu.memory_space<semaphore_mem>>) src(%arg3 : memref<10240xf32, #tpu.memory_space<hbm>>) dst(%arg7 : memref<10240xf32, #tpu.memory_space<vmem>>)
      tpu.yield
    }) : () -> ()
    %scan3A = arith.constant 0 : i32
    %scan3A_3 = arith.constant 0 : i32
    %scan3A_4 = arith.constant 40 : i32
    %scan3A_5 = arith.addi %scan3A_3, %scan3A_4 : i32
    %scan3A_6 = arith.constant 1 : i32
    scf.for %scan3A_32 = %scan3A_3 to %scan3A_5 step %scan3A_6  : i32 {
      %broadcast_in_dim3A = arith.constant 0.000000e+00 : f32
      %broadcast_in_dim3A_33 = vector.broadcast %broadcast_in_dim3A : f32 to vector<16xf32>
      %mul3A_34 = arith.constant 16 : i32
      %mul3A_35 = arith.muli %scan3A_32, %mul3A_34 : i32
      %swap3A = arith.index_cast %mul3A_35 : i32 to index
      %swap3A_36 = tpu.vector_load %arg8[%swap3A] {strides = array<i32>} : memref<640xf32, #tpu.memory_space<vmem>>, vector<16xf32>,
      %swap3A_37 = vector.shape_cast %swap3A_36 : vector<16xf32> to vector<16xf32>
      %swap3A_38 = vector.shape_cast %broadcast_in_dim3A_33 : vector<16xf32> to vector<16xf32>
      tpu.vector_store %arg8[%swap3A], %swap3A_38 {strides = array<i32>} : memref<640xf32, #tpu.memory_space<vmem>>, vector<16xf32>,
    }
    %scan3A_7 = arith.constant 40 : i32
    %mul3A_8 = arith.constant 640 : i32
    %mul3A_9 = arith.muli %arg1, %mul3A_8 : i32
    "tpu.region"() ({
      %run_scoped3A = tpu.sem_alloc : memref<!tpu.dma_semaphore, #tpu.memory_space<semaphore_mem>>
      %dma_start3A = tpu.memref_slice %arg9[%mul3A_9] : memref<10240xf32, #tpu.memory_space<vmem_shared>> -> memref<640xf32, #tpu.memory_space<vmem_shared>>
      %dma_start3A_32 = tpu.memref_slice %arg9[%mul3A_9] : memref<10240xf32, #tpu.memory_space<vmem_shared>> -> memref<640xf32, #tpu.memory_space<vmem_shared>>
      tpu.enqueue_dma source(%arg8 : memref<640xf32, #tpu.memory_space<vmem>>) target(%dma_start3A_32 : memref<640xf32, #tpu.memory_space<vmem_shared>>) target_semaphore(%run_scoped3A : memref<!tpu.dma_semaphore, #tpu.memory_space<semaphore_mem>>)
      %dma_wait3A = tpu.memref_slice %arg9[%mul3A_9] : memref<10240xf32, #tpu.memory_space<vmem_shared>> -> memref<640xf32, #tpu.memory_space<vmem_shared>>
      %dma_wait3A_33 = tpu.memref_slice %arg9[%mul3A_9] : memref<10240xf32, #tpu.memory_space<vmem_shared>> -> memref<640xf32, #tpu.memory_space<vmem_shared>>
      tpu.wait_dma2 semaphore(%run_scoped3A : memref<!tpu.dma_semaphore, #tpu.memory_space<semaphore_mem>>) src(%arg8 : memref<640xf32, #tpu.memory_space<vmem>>) dst(%dma_wait3A_33 : memref<640xf32, #tpu.memory_space<vmem_shared>>)
      tpu.yield
    }) : () -> ()
    %lt3A = arith.constant 31 : i32
    %lt3A_10 = arith.cmpi slt, %add3A, %lt3A : i32
    %convert_element_type3A = arith.extui %lt3A_10 : i1 to i32
    %cond3A = arith.constant 0 : i32
    %cond3A_11 = arith.cmpi ne, %convert_element_type3A, %cond3A : i32
    scf.if %cond3A_11 {
      %run_scoped3A = arith.constant 1 : i32
      "tpu.region"() ({
        %run_scoped3A_32 = tpu.sem_alloc : memref<!tpu.dma_semaphore, #tpu.memory_space<semaphore_mem>>
        %dma_start3A = tpu.memref_slice %arg2[%run_scoped3A, %multiple_of3A] : memref<2x320000xi32, #tpu.memory_space<hbm>> -> memref<1x10240xi32, #tpu.memory_space<hbm>>
        %dma_start3A_33 = tpu.memref_squeeze %dma_start3A : memref<1x10240xi32, #tpu.memory_space<hbm>> -> memref<10240xi32, #tpu.memory_space<hbm>>
        %dma_start3A_34 = tpu.memref_slice %arg2[%run_scoped3A, %multiple_of3A] : memref<2x320000xi32, #tpu.memory_space<hbm>> -> memref<1x10240xi32, #tpu.memory_space<hbm>>
        %dma_start3A_35 = tpu.memref_squeeze %dma_start3A_34 : memref<1x10240xi32, #tpu.memory_space<hbm>> -> memref<10240xi32, #tpu.memory_space<hbm>>
        tpu.enqueue_dma source(%dma_start3A_35 : memref<10240xi32, #tpu.memory_space<hbm>>) target(%arg6 : memref<10240xi32, #tpu.memory_space<vmem>>) target_semaphore(%run_scoped3A_32 : memref<!tpu.dma_semaphore, #tpu.memory_space<semaphore_mem>>)
        %dma_wait3A = tpu.memref_slice %arg2[%run_scoped3A, %multiple_of3A] : memref<2x320000xi32, #tpu.memory_space<hbm>> -> memref<1x10240xi32, #tpu.memory_space<hbm>>
        %dma_wait3A_36 = tpu.memref_squeeze %dma_wait3A : memref<1x10240xi32, #tpu.memory_space<hbm>> -> memref<10240xi32, #tpu.memory_space<hbm>>
        %dma_wait3A_37 = tpu.memref_slice %arg2[%run_scoped3A, %multiple_of3A] : memref<2x320000xi32, #tpu.memory_space<hbm>> -> memref<1x10240xi32, #tpu.memory_space<hbm>>
        %dma_wait3A_38 = tpu.memref_squeeze %dma_wait3A_37 : memref<1x10240xi32, #tpu.memory_space<hbm>> -> memref<10240xi32, #tpu.memory_space<hbm>>
        tpu.wait_dma2 semaphore(%run_scoped3A_32 : memref<!tpu.dma_semaphore, #tpu.memory_space<semaphore_mem>>) src(%dma_wait3A_38 : memref<10240xi32, #tpu.memory_space<hbm>>) dst(%arg6 : memref<10240xi32, #tpu.memory_space<vmem>>)
        tpu.yield
      }) : () -> ()
    } else {
    }
    %eq3A = arith.constant 31 : i32
    %eq3A_12 = arith.cmpi eq, %add3A, %eq3A : i32
    %convert_element_type3A_13 = arith.extui %eq3A_12 : i1 to i32
    %cond3A_14 = arith.constant 0 : i32
    %cond3A_15 = arith.cmpi ne, %convert_element_type3A_13, %cond3A_14 : i32
    scf.if %cond3A_15 {
      %run_scoped3A = arith.constant 1 : i32
      "tpu.region"() ({
        %run_scoped3A_32 = tpu.sem_alloc : memref<!tpu.dma_semaphore, #tpu.memory_space<semaphore_mem>>
        %dma_start3A = arith.constant 0 : i32
        %dma_start3A_33 = tpu.memref_slice %arg6[%dma_start3A] : memref<10240xi32, #tpu.memory_space<vmem>> -> memref<2560xi32, #tpu.memory_space<vmem>>
        %dma_start3A_34 = tpu.memref_slice %arg2[%run_scoped3A, %multiple_of3A] : memref<2x320000xi32, #tpu.memory_space<hbm>> -> memref<1x2560xi32, #tpu.memory_space<hbm>>
        %dma_start3A_35 = tpu.memref_squeeze %dma_start3A_34 : memref<1x2560xi32, #tpu.memory_space<hbm>> -> memref<2560xi32, #tpu.memory_space<hbm>>
        %dma_start3A_36 = arith.constant 0 : i32
        %dma_start3A_37 = tpu.memref_slice %arg6[%dma_start3A_36] : memref<10240xi32, #tpu.memory_space<vmem>> -> memref<2560xi32, #tpu.memory_space<vmem>>
        %dma_start3A_38 = tpu.memref_slice %arg2[%run_scoped3A, %multiple_of3A] : memref<2x320000xi32, #tpu.memory_space<hbm>> -> memref<1x2560xi32, #tpu.memory_space<hbm>>
        %dma_start3A_39 = tpu.memref_squeeze %dma_start3A_38 : memref<1x2560xi32, #tpu.memory_space<hbm>> -> memref<2560xi32, #tpu.memory_space<hbm>>
        tpu.enqueue_dma source(%dma_start3A_39 : memref<2560xi32, #tpu.memory_space<hbm>>) target(%dma_start3A_37 : memref<2560xi32, #tpu.memory_space<vmem>>) target_semaphore(%run_scoped3A_32 : memref<!tpu.dma_semaphore, #tpu.memory_space<semaphore_mem>>)
        %dma_wait3A = arith.constant 0 : i32
        %dma_wait3A_40 = tpu.memref_slice %arg6[%dma_wait3A] : memref<10240xi32, #tpu.memory_space<vmem>> -> memref<2560xi32, #tpu.memory_space<vmem>>
        %dma_wait3A_41 = tpu.memref_slice %arg2[%run_scoped3A, %multiple_of3A] : memref<2x320000xi32, #tpu.memory_space<hbm>> -> memref<1x2560xi32, #tpu.memory_space<hbm>>
        %dma_wait3A_42 = tpu.memref_squeeze %dma_wait3A_41 : memref<1x2560xi32, #tpu.memory_space<hbm>> -> memref<2560xi32, #tpu.memory_space<hbm>>
        %dma_wait3A_43 = arith.constant 0 : i32
        %dma_wait3A_44 = tpu.memref_slice %arg6[%dma_wait3A_43] : memref<10240xi32, #tpu.memory_space<vmem>> -> memref<2560xi32, #tpu.memory_space<vmem>>
        %dma_wait3A_45 = tpu.memref_slice %arg2[%run_scoped3A, %multiple_of3A] : memref<2x320000xi32, #tpu.memory_space<hbm>> -> memref<1x2560xi32, #tpu.memory_space<hbm>>
        %dma_wait3A_46 = tpu.memref_squeeze %dma_wait3A_45 : memref<1x2560xi32, #tpu.memory_space<hbm>> -> memref<2560xi32, #tpu.memory_space<hbm>>
        tpu.wait_dma2 semaphore(%run_scoped3A_32 : memref<!tpu.dma_semaphore, #tpu.memory_space<semaphore_mem>>) src(%dma_wait3A_46 : memref<2560xi32, #tpu.memory_space<hbm>>) dst(%dma_wait3A_44 : memref<2560xi32, #tpu.memory_space<vmem>>)
        tpu.yield
      }) : () -> ()
    } else {
    }
    %barrier3A = arith.constant 0 : index
    tpu.barrier barrier_id(%barrier3A)
    %lt3A_16 = arith.constant 31 : i32
    %lt3A_17 = arith.cmpi slt, %add3A, %lt3A_16 : i32
    %convert_element_type3A_18 = arith.extui %lt3A_17 : i1 to i32
    %cond3A_19 = arith.constant 0 : i32
    %cond3A_20 = arith.cmpi ne, %convert_element_type3A_18, %cond3A_19 : i32
    scf.if %cond3A_20 {
      "tpu.region"() ({
        %run_scoped3A = tpu.sem_alloc : memref<!tpu.dma_semaphore, #tpu.memory_space<semaphore_mem>>
        %dma_start3A = arith.constant 0 : i32
        %dma_start3A_32 = tpu.memref_slice %arg9[%dma_start3A] : memref<10240xf32, #tpu.memory_space<vmem_shared>> -> memref<10240xf32, #tpu.memory_space<vmem_shared>>
        tpu.enqueue_indirect_dma source(%arg7 : memref<10240xf32, #tpu.memory_space<vmem>>) target(%dma_start3A_32 : memref<10240xf32, #tpu.memory_space<vmem_shared>>) offsets(%arg6 : memref<10240xi32, #tpu.memory_space<vmem>>) semaphore(%run_scoped3A : memref<!tpu.dma_semaphore, #tpu.memory_space<semaphore_mem>>) {add = true}
        %dma_wait3A = arith.constant 0 : i32
        %dma_wait3A_33 = tpu.memref_slice %arg9[%dma_wait3A] : memref<10240xf32, #tpu.memory_space<vmem_shared>> -> memref<10240xf32, #tpu.memory_space<vmem_shared>>
        tpu.wait_indirect_dma semaphore(%run_scoped3A : memref<!tpu.dma_semaphore, #tpu.memory_space<semaphore_mem>>) src(%arg7 : memref<10240xf32, #tpu.memory_space<vmem>>) dst(%dma_wait3A_33 : memref<10240xf32, #tpu.memory_space<vmem_shared>>)
        tpu.yield
      }) : () -> ()
    } else {
    }
    %eq3A_21 = arith.constant 31 : i32
    %eq3A_22 = arith.cmpi eq, %add3A, %eq3A_21 : i32
    %convert_element_type3A_23 = arith.extui %eq3A_22 : i1 to i32
    %cond3A_24 = arith.constant 0 : i32
    %cond3A_25 = arith.cmpi ne, %convert_element_type3A_23, %cond3A_24 : i32
    scf.if %cond3A_25 {
      "tpu.region"() ({
        %run_scoped3A = tpu.sem_alloc : memref<!tpu.dma_semaphore, #tpu.memory_space<semaphore_mem>>
        %dma_start3A = arith.constant 0 : i32
        %dma_start3A_32 = tpu.memref_slice %arg7[%dma_start3A] : memref<10240xf32, #tpu.memory_space<vmem>> -> memref<2560xf32, #tpu.memory_space<vmem>>
        %dma_start3A_33 = arith.constant 0 : i32
        %dma_start3A_34 = tpu.memref_slice %arg6[%dma_start3A_33] : memref<10240xi32, #tpu.memory_space<vmem>> -> memref<2560xi32, #tpu.memory_space<vmem>>
        %dma_start3A_35 = arith.constant 0 : i32
        %dma_start3A_36 = tpu.memref_slice %arg9[%dma_start3A_35] : memref<10240xf32, #tpu.memory_space<vmem_shared>> -> memref<10240xf32, #tpu.memory_space<vmem_shared>>
        tpu.enqueue_indirect_dma source(%dma_start3A_32 : memref<2560xf32, #tpu.memory_space<vmem>>) target(%dma_start3A_36 : memref<10240xf32, #tpu.memory_space<vmem_shared>>) offsets(%dma_start3A_34 : memref<2560xi32, #tpu.memory_space<vmem>>) semaphore(%run_scoped3A : memref<!tpu.dma_semaphore, #tpu.memory_space<semaphore_mem>>) {add = true}
        %dma_wait3A = arith.constant 0 : i32
        %dma_wait3A_37 = tpu.memref_slice %arg7[%dma_wait3A] : memref<10240xf32, #tpu.memory_space<vmem>> -> memref<2560xf32, #tpu.memory_space<vmem>>
        %dma_wait3A_38 = arith.constant 0 : i32
        %dma_wait3A_39 = tpu.memref_slice %arg6[%dma_wait3A_38] : memref<10240xi32, #tpu.memory_space<vmem>> -> memref<2560xi32, #tpu.memory_space<vmem>>
        %dma_wait3A_40 = arith.constant 0 : i32
        %dma_wait3A_41 = tpu.memref_slice %arg9[%dma_wait3A_40] : memref<10240xf32, #tpu.memory_space<vmem_shared>> -> memref<10240xf32, #tpu.memory_space<vmem_shared>>
        tpu.wait_indirect_dma semaphore(%run_scoped3A : memref<!tpu.dma_semaphore, #tpu.memory_space<semaphore_mem>>) src(%dma_wait3A_37 : memref<2560xf32, #tpu.memory_space<vmem>>) dst(%dma_wait3A_41 : memref<10240xf32, #tpu.memory_space<vmem_shared>>)
        tpu.yield
      }) : () -> ()
    } else {
    }
    %barrier3A_26 = arith.constant 0 : index
    tpu.barrier barrier_id(%barrier3A_26)
    %eq3A_27 = arith.constant 0 : i32
    %eq3A_28 = arith.cmpi eq, %arg1, %eq3A_27 : i32
    %convert_element_type3A_29 = arith.extui %eq3A_28 : i1 to i32
    %cond3A_30 = arith.constant 0 : i32
    %cond3A_31 = arith.cmpi ne, %convert_element_type3A_29, %cond3A_30 : i32
    scf.if %cond3A_31 {
      %eq3A_32 = arith.constant 0 : i32
      %eq3A_33 = arith.cmpi eq, %arg0, %eq3A_32 : i32
      %convert_element_type3A_34 = arith.extui %eq3A_33 : i1 to i32
      %cond3A_35 = arith.constant 0 : i32
      %cond3A_36 = arith.cmpi ne, %convert_element_type3A_34, %cond3A_35 : i32
      scf.if %cond3A_36 {
        %run_scoped3A = arith.constant 0 : i32
        "tpu.region"() ({
          %run_scoped3A_42 = tpu.sem_alloc : memref<!tpu.dma_semaphore, #tpu.memory_space<semaphore_mem>>
          %dma_start3A = arith.constant 0 : i32
          %dma_start3A_43 = tpu.memref_slice %arg4[%run_scoped3A, %dma_start3A] : memref<1x10240xf32, #tpu.memory_space<hbm>> -> memref<1x10240xf32, #tpu.memory_space<hbm>>
          %dma_start3A_44 = tpu.memref_squeeze %dma_start3A_43 : memref<1x10240xf32, #tpu.memory_space<hbm>> -> memref<10240xf32, #tpu.memory_space<hbm>>
          tpu.enqueue_dma source(%arg9 : memref<10240xf32, #tpu.memory_space<vmem_shared>>) target(%dma_start3A_44 : memref<10240xf32, #tpu.memory_space<hbm>>) target_semaphore(%run_scoped3A_42 : memref<!tpu.dma_semaphore, #tpu.memory_space<semaphore_mem>>)
          %dma_wait3A = arith.constant 0 : i32
          %dma_wait3A_45 = tpu.memref_slice %arg4[%run_scoped3A, %dma_wait3A] : memref<1x10240xf32, #tpu.memory_space<hbm>> -> memref<1x10240xf32, #tpu.memory_space<hbm>>
          %dma_wait3A_46 = tpu.memref_squeeze %dma_wait3A_45 : memref<1x10240xf32, #tpu.memory_space<hbm>> -> memref<10240xf32, #tpu.memory_space<hbm>>
          tpu.wait_dma2 semaphore(%run_scoped3A_42 : memref<!tpu.dma_semaphore, #tpu.memory_space<semaphore_mem>>) src(%arg9 : memref<10240xf32, #tpu.memory_space<vmem_shared>>) dst(%dma_wait3A_46 : memref<10240xf32, #tpu.memory_space<hbm>>)
          tpu.yield
        }) : () -> ()
      } else {
      }
      %eq3A_37 = arith.constant 1 : i32
      %eq3A_38 = arith.cmpi eq, %arg0, %eq3A_37 : i32
      %convert_element_type3A_39 = arith.extui %eq3A_38 : i1 to i32
      %cond3A_40 = arith.constant 0 : i32
      %cond3A_41 = arith.cmpi ne, %convert_element_type3A_39, %cond3A_40 : i32
      scf.if %cond3A_41 {
        %run_scoped3A = arith.constant 0 : i32
        "tpu.region"() ({
          %run_scoped3A_42 = tpu.sem_alloc : memref<!tpu.dma_semaphore, #tpu.memory_space<semaphore_mem>>
          %dma_start3A = arith.constant 0 : i32
          %dma_start3A_43 = tpu.memref_slice %arg5[%run_scoped3A, %dma_start3A] : memref<1x10240xf32, #tpu.memory_space<hbm>> -> memref<1x10240xf32, #tpu.memory_space<hbm>>
          %dma_start3A_44 = tpu.memref_squeeze %dma_start3A_43 : memref<1x10240xf32, #tpu.memory_space<hbm>> -> memref<10240xf32, #tpu.memory_space<hbm>>
          tpu.enqueue_dma source(%arg9 : memref<10240xf32, #tpu.memory_space<vmem_shared>>) target(%dma_start3A_44 : memref<10240xf32, #tpu.memory_space<hbm>>) target_semaphore(%run_scoped3A_42 : memref<!tpu.dma_semaphore, #tpu.memory_space<semaphore_mem>>)
          %dma_wait3A = arith.constant 0 : i32
          %dma_wait3A_45 = tpu.memref_slice %arg5[%run_scoped3A, %dma_wait3A] : memref<1x10240xf32, #tpu.memory_space<hbm>> -> memref<1x10240xf32, #tpu.memory_space<hbm>>
          %dma_wait3A_46 = tpu.memref_squeeze %dma_wait3A_45 : memref<1x10240xf32, #tpu.memory_space<hbm>> -> memref<10240xf32, #tpu.memory_space<hbm>>
          tpu.wait_dma2 semaphore(%run_scoped3A_42 : memref<!tpu.dma_semaphore, #tpu.memory_space<semaphore_mem>>) src(%arg9 : memref<10240xf32, #tpu.memory_space<vmem_shared>>) dst(%dma_wait3A_46 : memref<10240xf32, #tpu.memory_space<hbm>>)
          tpu.yield
        }) : () -> ()
      } else {
      }
    } else {
    }
    return
  }
}

module attributes {stable_mosaic.version = 14 : i64} {
  func.func @_out_body(%arg0: memref<1x10240xf32, #tpu.memory_space<vmem>>, %arg1: memref<1x10240xf32, #tpu.memory_space<vmem>>, %arg2: memref<1x10240xf32, #tpu.memory_space<vmem>>, %arg3: memref<1x10240xf32, #tpu.memory_space<vmem>>, %arg4: memref<10000x128xf32, #tpu.memory_space<vmem>>, %arg5: memref<128x128xf32, #tpu.memory_space<vmem>>, %arg6: memref<1x128xf32, #tpu.memory_space<vmem>>, %arg7: memref<1x128xf32, #tpu.memory_space<vmem>>) attributes {dimension_semantics = [], scalar_prefetch = 0 : i64, scratch_operands = 0 : i64, tpu.core_type = #tpu.core_type<tc>} {
    %get3A = arith.constant 0 : index
    %get3A_0 = arith.constant 0 : index
    %get3A_1 = vector.load %arg0[%get3A, %get3A_0] : memref<1x10240xf32, #tpu.memory_space<vmem>>, vector<1x10240xf32>
    %get3A_2 = arith.constant 0 : index
    %get3A_3 = arith.constant 0 : index
    %get3A_4 = vector.load %arg1[%get3A_2, %get3A_3] : memref<1x10240xf32, #tpu.memory_space<vmem>>, vector<1x10240xf32>
    %add3A = arith.addf %get3A_1, %get3A_4 : vector<1x10240xf32>
    %add3A_5 = arith.constant 1.000000e+00 : f32
    %add3A_6 = vector.broadcast %add3A_5 : f32 to vector<1x10240xf32>
    %add3A_7 = arith.addf %add3A, %add3A_6 : vector<1x10240xf32>
    %iota3A = tpu.iota {dimensions = array<i32: 1>} : vector<1x10240xi32>
    %lt3A = arith.constant 10000 : i32
    %lt3A_8 = vector.broadcast %lt3A : i32 to vector<1x10240xi32>
    %lt3A_9 = arith.cmpi slt, %iota3A, %lt3A_8 : vector<1x10240xi32>
    %rsqrt3A = math.rsqrt %add3A_7 : vector<1x10240xf32>
    %jit3A = arith.constant 0.000000e+00 : f32
    %broadcast_in_dim3A = vector.broadcast %jit3A : f32 to vector<1x10240xf32>
    %select_n3A = arith.select %lt3A_9, %rsqrt3A, %broadcast_in_dim3A : vector<1x10240xi1>, vector<1x10240xf32>
    %get3A_10 = arith.constant 0 : index
    %get3A_11 = arith.constant 0 : index
    %get3A_12 = vector.load %arg2[%get3A_10, %get3A_11] : memref<1x10240xf32, #tpu.memory_space<vmem>>, vector<1x10240xf32>
    %get3A_13 = arith.constant 0 : index
    %get3A_14 = arith.constant 0 : index
    %get3A_15 = vector.load %arg3[%get3A_13, %get3A_14] : memref<1x10240xf32, #tpu.memory_space<vmem>>, vector<1x10240xf32>
    %add3A_16 = arith.addf %get3A_12, %get3A_15 : vector<1x10240xf32>
    %add3A_17 = arith.addf %add3A_16, %select_n3A : vector<1x10240xf32>
    %mul3A = arith.mulf %select_n3A, %add3A_17 : vector<1x10240xf32>
    %slice3A = vector.extract_strided_slice %mul3A {offsets = [0, 0], sizes = [1, 9984], strides = [1, 1]} : vector<1x10240xf32> to vector<1x9984xf32>
    %get3A_18 = arith.constant 0 : index
    %get3A_19 = arith.constant 0 : index
    %get3A_20 = vector.load %arg4[%get3A_18, %get3A_19] : memref<10000x128xf32, #tpu.memory_space<vmem>>, vector<9984x128xf32>
    %dot_general3A = arith.constant dense<0.000000e+00> : vector<1x128xf32>
    %dot_general3A_21 = tpu.matmul %slice3A, %get3A_20, %dot_general3A {dimension_numbers = #tpu.dot_dimension_numbers<[1], [0], [0], [1], [0, 0, 1, 1], [], []>, transpose_lhs_hint = false} : vector<1x9984xf32>, vector<9984x128xf32>, vector<1x128xf32> -> vector<1x128xf32>
    %slice3A_22 = vector.extract_strided_slice %mul3A {offsets = [0, 9984], sizes = [1, 16], strides = [1, 1]} : vector<1x10240xf32> to vector<1x16xf32>
    %get3A_23 = arith.constant 9984 : index
    %get3A_24 = arith.constant 0 : index
    %get3A_25 = vector.load %arg4[%get3A_23, %get3A_24] : memref<10000x128xf32, #tpu.memory_space<vmem>>, vector<16x128xf32>
    %dot_general3A_26 = arith.constant dense<0.000000e+00> : vector<1x128xf32>
    %dot_general3A_27 = tpu.matmul %slice3A_22, %get3A_25, %dot_general3A_26 {dimension_numbers = #tpu.dot_dimension_numbers<[1], [0], [0], [1], [0, 0, 1, 1], [], []>, transpose_lhs_hint = false} : vector<1x16xf32>, vector<16x128xf32>, vector<1x128xf32> -> vector<1x128xf32>
    %add3A_28 = arith.addf %dot_general3A_21, %dot_general3A_27 : vector<1x128xf32>
    %get3A_29 = arith.constant 0 : index
    %get3A_30 = arith.constant 0 : index
    %get3A_31 = vector.load %arg5[%get3A_29, %get3A_30] : memref<128x128xf32, #tpu.memory_space<vmem>>, vector<128x128xf32>
    %dot_general3A_32 = arith.constant dense<0.000000e+00> : vector<1x128xf32>
    %dot_general3A_33 = tpu.matmul %add3A_28, %get3A_31, %dot_general3A_32 {dimension_numbers = #tpu.dot_dimension_numbers<[1], [1], [0], [0], [0, 0, 1, 0], [], []>, transpose_lhs_hint = false} : vector<1x128xf32>, vector<128x128xf32>, vector<1x128xf32> -> vector<1x128xf32>
    %get3A_34 = arith.constant 0 : index
    %get3A_35 = arith.constant 0 : index
    %get3A_36 = vector.load %arg6[%get3A_34, %get3A_35] : memref<1x128xf32, #tpu.memory_space<vmem>>, vector<1x128xf32>
    %mul3A_37 = arith.constant 1.000000e+04 : f32
    %mul3A_38 = vector.broadcast %mul3A_37 : f32 to vector<1x128xf32>
    %mul3A_39 = arith.mulf %mul3A_38, %get3A_36 : vector<1x128xf32>
    %add3A_40 = arith.addf %dot_general3A_33, %mul3A_39 : vector<1x128xf32>
    %swap3A = arith.constant 0 : index
    %swap3A_41 = arith.constant 0 : index
    %swap3A_42 = vector.load %arg7[%swap3A, %swap3A_41] : memref<1x128xf32, #tpu.memory_space<vmem>>, vector<1x128xf32>
    tpu.vector_store %arg7[%swap3A, %swap3A_41], %add3A_40 {strides = array<i32>} : memref<1x128xf32, #tpu.memory_space<vmem>>, vector<1x128xf32>,
    return
  }
}

</mosaic_0001>

<sc_bundles>
// kernel: kernel.5.cloned.1.call-start
scs
__scs_entry_jumppad:
0x0: {  	(pc) =	sbr.rel $0x88, $3  }
0x1: {  	(tag) =	ssettag $0x0;
	lr =	simm.s32 $0x1  }
0x2: {  	[smem:$0x3F9D] =	sst lr;
	_ =	strace $0xD0000000  }
0x3: {  	_ = 	snop  }
0x4: {  	_ = 	snop  }
0x5: {  	_ = 	snop  }
0x6: {  	_ = 	snop  }
0x7: {  	_ = 	snop  }
__scs_overlays_trampoline_lowered:
0x8: {  	[smem:$0x3FAC] =	sst s0  }
0x9: {  	[smem:$0x3FAD] =	sst s1  }
0xa: {  	[smem:$0x3FAE] =	sst s2  }
0xb: {  	[smem:$0x3FAF] =	sst s3  }
0xc: {  	[smem:$0x3FB0] =	sst s4  }
0xd: {  	[smem:$0x3FB1] =	sst s5  }
0xe: {  	[smem:$0x3FB2] =	sst s6  }
0xf: {  	[smem:$0x3FB3] =	sst s7  }
0x10: {  	[smem:$0x3FB4] =	sst s8  }
0x11: {  	[smem:$0x3FB5] =	sst s9;
	s0 =	simm.s32 @!p0 $0x0  }
0x12: {  	s1 =	sld [smem:$0x3F9B];
	s0 =	simm.s32 @p0 $0x1  }
0x13: {  	[smem:$0x3FB6] =	sst s0;
	s0 =	simm.s32 @!p1 $0x0  }
0x14: {  	s2 =	sld [smem:$0x3F9A];
	s0 =	simm.s32 @p1 $0x1  }
0x15: {  	[smem:$0x3FB7] =	sst s0;
	s0 =	simm.s32 @!p2 $0x0  }
0x16: {  	s3 =	sld [smem:$0x3FDB];
	s0 =	simm.s32 @p2 $0x1  }
0x17: {  	s4 =	simm.s32 $0x1BF5;
	[smem:$0x3FB9] =	sst s0  }
0x18: {  	s0 =	sld [smem:$0x3F9C];
	_ =	swait.ge [sflag:s4], $0x0  }
0x19: {  	s7 =	sld [smem:$0x3F9D]  }
0x1a: {  	s8 =	sadd.s32 $0xFFFFE003, lr  }
0x1b: {  	s9 =	sadd.s32 $0xFFFFFEF7, lr;
	s5 =	simm.s32 $0xFFFFFFFF;
	p2 =	slt.u32 s8, $0xFFFFF086  }
0x1c: {  	p1 =	slt.u32 s9, $0xF7A;
	s5 =	simm.s32 @!p2 $0x0  }
0x1d: {  	s5 =	simm.s32 @p1 $0x1;
	p0 =	seq.s32 s7, s2  }
0x1e: {  	s7 =	smul.u32 @!p0 $0xF7A, s2;
	p2 =	seq.s32 @!p0 s5, $0x0  }
0x1f: {  	s9 =	smul.u32 $0xF7A, s1;
	s8 =	simm.s32 @!p0 $0x1BF5;
	p2 =	por !p2, p0  }
0x20: {  	[sflag:s8] =	ssyncset.s32 @!p0 $0xFFFFF086;
	s6 =	sadd.s32 @!p0 s3, s7;
	s7 =	simm.s32 @!p0 $0x108  }
0x21: {  	s3 =	sadd.s32 s3, s9;
	s6 =	sadd.s32 @!p0 $0x88, s6;
	s7 =	simm.s32 @p2 $0x1082  }
0x22: {  	[simem:s7], [sflag:s8] =	dma.local @!p0 [hbm:s6], $0xF7A  }
0x23: {  	s9 =	sor.u32 $0xD0000000, s2;
	s6 =	simm.s32 $0x108;
	_ =	swait.ge @!p0 [sflag:s8], $0x0  }
0x24: {  	s3 =	sadd.s32 $0x88, s3;
	s6 =	simm.s32 @!p1 $0x1082;
	[sflag:s4] =	ssyncset.s32 $0xFFFFF086  }
0x25: {  	[simem:s6], [sflag:s4] =	dma.local [hbm:s3], $0xF7A  }
0x26: {  	[smem:$0x3F9D] =	sst s1;
	(tag) =	ssettag s2;
	_ =	strace s9  }
0x27: {  	s1 =	sld [smem:$0x3FAD]  }
0x28: {  	s2 =	sld [smem:$0x3FAE]  }
0x29: {  	s4 =	sld [smem:$0x3FB0]  }
0x2a: {  	p0 =	seq.s32 s5, $0x0;
	s5 =	sld [smem:$0x3FB1]  }
0x2b: {  	s6 =	sld [smem:$0x3FB2]  }
0x2c: {  	s7 =	sld [smem:$0x3FB3]  }
0x2d: {  	s3 =	simm.s32 $0x108;
	s8 =	sld [smem:$0x3FB4]  }
0x2e: {  	s3 =	simm.s32 @!p0 $0x1082;
	s9 =	sld [smem:$0x3FB5]  }
0x2f: {  	lr =	sadd.s32 s0, s3;
	s0 =	sld [smem:$0x3FAC]  }
0x30: {  	s3 =	sld [smem:$0x3FAF]  }
0x31: {  	[smem:$0x3FB8] =	sst s10  }
0x32: {  	s10 =	sld [smem:$0x3FB6];
	_ =	sdelay $0x3  }
0x33: {  	p0 =	seq.s32 s10, $0x1;
	s10 =	sld [smem:$0x3FB8];
	_ =	sdelay $0x3  }
0x34: {  	[smem:$0x3FB8] =	sst s10  }
0x35: {  	s10 =	sld [smem:$0x3FB7];
	_ =	sdelay $0x3  }
0x36: {  	p1 =	seq.s32 s10, $0x1;
	s10 =	sld [smem:$0x3FB8];
	_ =	sdelay $0x3  }
0x37: {  	[smem:$0x3FB8] =	sst s10  }
0x38: {  	s10 =	sld [smem:$0x3FB9]  }
0x39: {  	_ = 	snop;
	(pc) =	sbr.ind lr, $3  }
0x3a: {  	_ = 	snop  }
0x3b: {  	_ = 	snop  }
0x3c: {  	p2 =	seq.s32 s10, $0x1;
	s10 =	sld [smem:$0x3FB8]  }
0x3d: {  	_ =	shalt  }
0x3e: {  	_ =	shalt  }
0x3f: {  	_ =	shalt  }
0x40: {  	_ =	shalt  }
0x41: {  	_ =	shalt  }
0x42: {  	_ =	shalt  }
0x43: {  	_ =	shalt  }
0x44: {  	_ =	shalt  }
0x45: {  	_ =	shalt  }
0x46: {  	_ =	shalt  }
0x47: {  	_ =	shalt  }
0x48: {  	_ =	shalt  }
0x49: {  	_ =	shalt  }
0x4a: {  	_ =	shalt  }
0x4b: {  	_ =	shalt  }
0x4c: {  	_ =	shalt  }
0x4d: {  	_ =	shalt  }
0x4e: {  	_ =	shalt  }
0x4f: {  	_ =	shalt  }
0x50: {  	_ =	shalt  }
0x51: {  	_ =	shalt  }
0x52: {  	_ =	shalt  }
0x53: {  	_ =	shalt  }
0x54: {  	_ =	shalt  }
0x55: {  	_ =	shalt  }
0x56: {  	_ =	shalt  }
0x57: {  	_ =	shalt  }
0x58: {  	_ =	shalt  }
0x59: {  	_ =	shalt  }
0x5a: {  	_ =	shalt  }
0x5b: {  	_ =	shalt  }
0x5c: {  	_ =	shalt  }
0x5d: {  	_ =	shalt  }
0x5e: {  	_ =	shalt  }
0x5f: {  	_ =	shalt  }
0x60: {  	_ =	shalt  }
0x61: {  	_ =	shalt  }
0x62: {  	_ =	shalt  }
0x63: {  	_ =	shalt  }
0x64: {  	_ =	shalt  }
0x65: {  	_ =	shalt  }
0x66: {  	_ =	shalt  }
0x67: {  	_ =	shalt  }
0x68: {  	_ =	shalt  }
0x69: {  	_ =	shalt  }
0x6a: {  	_ =	shalt  }
0x6b: {  	_ =	shalt  }
0x6c: {  	_ =	shalt  }
0x6d: {  	_ =	shalt  }
0x6e: {  	_ =	shalt  }
0x6f: {  	_ =	shalt  }
0x70: {  	_ =	shalt  }
0x71: {  	_ =	shalt  }
0x72: {  	_ =	shalt  }
0x73: {  	_ =	shalt  }
0x74: {  	_ =	shalt  }
0x75: {  	_ =	shalt  }
0x76: {  	_ =	shalt  }
0x77: {  	_ =	shalt  }
0x78: {  	_ =	shalt  }
0x79: {  	_ =	shalt  }
0x7a: {  	_ =	shalt  }
0x7b: {  	_ =	shalt  }
0x7c: {  	_ =	shalt  }
0x7d: {  	_ =	shalt  }
0x7e: {  	_ =	shalt  }
0x7f: {  	_ =	shalt  }
0x80: {  	_ =	shalt  }
0x81: {  	_ =	shalt  }
0x82: {  	_ =	shalt  }
0x83: {  	_ =	shalt  }
0x84: {  	_ =	shalt  }
0x85: {  	_ =	shalt  }
0x86: {  	_ =	shalt  }
0x87: {  	_ =	shalt  }
.Lfunc_end0:
.L_simem_size_0:
called_computation_lowered:
.L_overlay_start_0:
0x88: {  	s2 =	sld [smem:$0x3FD9]  }
0x89: {  	s3 =	sld [smem:$0x3FFE];
	_ =	sdelay $0x1  }
0x8a: {  	s1 =	srdreg.scid  }
0x8b: {  	s0 =	sand.u32 $0x1, s1  }
0x8c: {  	s17 =	sshll.u32 s0, $0xA;
	s2 =	sadd.s32 s3, s2  }
0x8d: {  	s2 =	sadd.s32 s2, s17  }
0x8e: {  	[smem:$0x3FC4] =	sst s2  }
0x8f: {  	_ = 	snop  }
0x90: {  	s2 =	sld [smem:$0x3FC8];
	(tm) =	ssettm $0x1  }
0x91: {  	s18 =	sld [smem:$0x3FFB];
	_ =	sdelay $0x3  }
0x92: {  	_ =	strace s18  }
0x93: {  	s3 =	sld [smem:$0x3FFC];
	_ =	sdelay $0x3  }
0x94: {  	_ =	strace s3  }
0x95: {  	s3 =	sld [smem:$0x3FFD];
	_ =	sdelay $0x3  }
0x96: {  	_ =	strace s3  }
0x97: {  	_ =	strace $0x8FFFFFFF  }
0x98: {  	s19 =	sld [smem:$0x3FDB];
	_ =	sdelay $0x1  }
0x99: {  	s4 =	simm.s32 $_scs_section_size  }
0x9a: {  	s5 =	simm.s32 $_size__tile_overlayer_lowered;
	s6 =	simm.s32 $_tile_overlayer_lowered  }
0x9b: {  	s22 =	simm.s32 $0x1BFF;
	s21 =	sshll.u32 s6, $0x1;
	s3 =	sadd.s32 s4, s19  }
0x9c: {  	s7 =	simm.s32 $0x0;
	s20 =	sshll.u32 s5, $0x1;
	s5 =	sadd.s32 s21, s3  }
0x9d: {  	[timem:s7], [sflag:s22] =	dma.local [hbm:s5], s20  }
0x9e: {  	_ =	swait.ge [sflag:s22], s20  }
0x9f: {  	s4 =	ssub.s32 $0x0, s20;
	[sflag:s22] =	ssyncset.done $0x0  }
0xa0: {  	[sflag:s22] =	ssyncadd.s32 s4;
	_ =	sdelay $0x1  }
0xa1: {  	s23 =	simm.s32 $0x1B8B  }
0xa2: {  	_ =	swait.ge [sflag:s23], $0x1  }
0xa3: {  	[sflag:s23] =	ssyncset.done $0x0  }
0xa4: {  	s25 =	simm.s32 $0x1B8E;
	s24 =	sld [smem:$0x3FFE];
	[sflag:s23] =	ssyncadd.s32 $0xFFFFFFFF  }
0xa5: {  	s26 =	simm.s32 $execute0_lowered;
	[smem:$0x3FD2] =	sst s25  }
0xa6: {  	s5 =	sshll.u32 s26, $0x1;
	_ =	strace $0x80000046;
	[dreg:$0x1] =	wrdreg $0xFFFFFFFF  }
0xa7: {  	s28 =	simm.s32 $_size_execute0_lowered;
	s3 =	sadd.s32 s3, s5;
	[dreg:$0x0] =	wrdreg $0x0  }
0xa8: {  	s5 =	sshll.u32 s28, $0x1;
	[dreg:$0x2] =	wrdreg s3  }
0xa9: {  	[dreg:$0x3] =	wrdreg s5  }
0xaa: {  	[dreg:$0x4] =	wrdreg $0xC0  }
0xab: {  	_ =	task [dreg:s7], $0x5FFFF  }
0xac: {  	[dreg:$0x1] =	wrdreg $0xFFFFFFFF  }
0xad: {  	[dreg:$0x0] =	wrdreg $0x60  }
0xae: {  	[dreg:$0x2] =	wrdreg s2  }
0xaf: {  	[dreg:$0x3] =	wrdreg s24  }
0xb0: {  	[dreg:$0x4] =	wrdreg $0x52800  }
0xb1: {  	[dreg:$0x5] =	wrdreg $0x9  }
0xb2: {  	_ =	task.clear_ibuf [dreg:s7], $0x6FFFF;
	_ =	strace $0x90000046  }
0xb3: {  	s29 =	simm.s32 $0x9;
	_ =	strace $0x80000048  }
0xb4: {  	_ =	swait.ge [sflag:s29], $0x1  }
0xb5: {  	[sflag:s29] =	ssyncadd.s32 $0xFFFFFFFF  }
0xb6: {  	_ =	strace $0x90000048  }
0xb7: {  	_ =	sfence  }
0xb8: {  	s30 =	sld [smem:$0x0];
	_ =	sdelay $0x2  }
0xb9: {  	s31 =	sshll.u32 s1, $0xD;
	s1 =	sshrl.u32 s1, $0x2  }
0xba: {  	s3 =	sand.u32 $0x4000, s31;
	s1 =	sadd.s32 s1, s30  }
0xbb: {  	s0 =	sor.u32 s3, s0;
	s1 =	sshll.u32 s1, $0x11  }
0xbc: {  	s0 =	sor.u32 s1, s0  }
0xbd: {  	s0 =	sadd.s32 $0x8F2B, s0  }
0xbe: {  	[sflag:s0] =	ssyncadd.remote.s32 $0x1  }
0xbf: {  	_ =	sfence.sel $0xFFFF  }
0xc0: {  	[dreg:$0x0] =	wrdreg $0xFFFFFFFF;
	(pc) =	sbr.abs _section_cstart, $3  }
0xc1: {  	[dreg:$0x1] =	wrdreg $0xFFFFFFFF  }
0xc2: {  	_ =	task.clear_ibuf [dreg:s7], $0x2FFFF;
	_ =	strace $0x9FFFFFFF  }
0xc3: {  	(tm) =	ssettm $0x7FFFFFFF  }
tec
execute0_lowered:
.L_overlay_start_1:
0x0: {  	(tag) =	ssettag $0x1  }
0x1: {  	s7 =	rddreg [dreg:$0x0]  }
0x2: {  	s3 =	rddreg [dreg:$0x1]  }
0x3: {  	s1 =	rddreg [dreg:$0x2]  }
0x4: {  	s0 =	rddreg [dreg:$0x3];
	s4 =	simm.s32 $0x0  }
0x5: {  	s6 =	simm.s32 $0x2800;
	[smem:$0x7FF] =	sst s4  }
0x6: {  	s2 =	simm.s32 $0x1;
	s5 =	sadd.s32 $0x2400, s3;
	_ =	strace $0x80000047  }
0x7: {  	[tilespmem:s6], [sflag:$0x1] =	stream.linear.gather [hbm4b:s5+s4], $0x2800, $0x38;
	[tilespmem:$0x5500] =	vst v63  }
0x8: {  	_ =	swait.ge [sflag:s2], $0x2800  }
0x9: {  	[sflag:s2] =	ssyncset.done $0x0  }
0xa: {  	v0 =	vimm.f32 $0.0e+00;
	[sflag:s2] =	ssyncadd.s32 $0xFFFFD800  }
0xb: {  	[tilespmem:$0x5270] =	vst v0  }
0xc: {  	[tilespmem:$0x5260] =	vst v0  }
0xd: {  	[tilespmem:$0x5250] =	vst v0  }
0xe: {  	[tilespmem:$0x5240] =	vst v0  }
0xf: {  	[tilespmem:$0x5230] =	vst v0  }
0x10: {  	[tilespmem:$0x5220] =	vst v0  }
0x11: {  	[tilespmem:$0x5210] =	vst v0  }
0x12: {  	[tilespmem:$0x5200] =	vst v0  }
0x13: {  	[tilespmem:$0x51F0] =	vst v0  }
0x14: {  	[tilespmem:$0x51E0] =	vst v0  }
0x15: {  	[tilespmem:$0x51D0] =	vst v0  }
0x16: {  	[tilespmem:$0x51C0] =	vst v0  }
0x17: {  	[tilespmem:$0x51B0] =	vst v0  }
0x18: {  	[tilespmem:$0x51A0] =	vst v0  }
0x19: {  	s8 =	srdreg.scid;
	[tilespmem:$0x5190] =	vst v0  }
0x1a: {  	s8 =	sand.u32 $0x1, s8;
	[tilespmem:$0x5180] =	vst v0  }
0x1b: {  	s10 =	ssub.s32 $0x2, s8;
	[tilespmem:$0x5170] =	vst v0  }
0x1c: {  	s12 =	sshrl.u32 s10, $0x1;
	[tilespmem:$0x5160] =	vst v0  }
0x1d: {  	s10 =	ssub.s32 s10, s12;
	[tilespmem:$0x5150] =	vst v0  }
0x1e: {  	s11 =	stileid.u32;
	s12 =	smax.u32 s10, $0x1;
	[tilespmem:$0x5140] =	vst v0  }
0x1f: {  	s29 =	smul.u32 $0xA00, s11;
	s12 =	sadd.s32 $0xFFFFFFFF, s12;
	[tilespmem:$0x5130] =	vst v0  }
0x20: {  	s9 =	sshll.u32 s8, $0x4;
	p0 =	seq.s32 s8, $0x1;
	[tilespmem:$0x5120] =	vst v0;
	p2 =	sne.s32 s12, $0x0  }
.Ltmp0:
0x21: {  	s8 =	simm.s32 $0x3000;
	s13 =	sor.u32 s11, s9;
	[tilespmem:$0x5110] =	vst v0;
	(pc) =	sbr.rel @!p2 .LBB2_2-.Ltmp0, $4  }
0x22: {  	s8 =	simm.s32 @!p0 $0x2A00;
	s30 =	sshrl.u32 s29, $0x2;
	s14 =	smul.u32 $0xA00, s13;
	[tilespmem:$0x5100] =	vst v0  }
0x23: {  	s9 =	sadd.s32 $0x13610, s7;
	p0 =	sne.s32 s11, $0x0;
	s11 =	simm.s32 $0x5000;
	[tilespmem:$0x50F0] =	vst v0  }
0x24: {  	s3 =	sadd.s32 s8, s3;
	p1 =	seq.s32 s13, $0x1F;
	s31 =	sadd.s32 s14, s7;
	[tilespmem:$0x50E0] =	vst v0  }
0x25: {  	s10 =	sadd.s32 s30, s1;
	s7 =	sshrl.u32 @!p0 s1, $0x3;
	s8 =	sadd.s32 $0x10, s31;
	[tilespmem:$0x50D0] =	vst v0  }
.LBB2_1:
0x26: {  	s12 =	sadd.s32 $0xFFFFFFFF, s12;
	[tilespmem:$0x50C0] =	vst v0  }
0x27: {  	p2 =	sne.s32 s12, $0x0;
	[tilespmem:$0x50B0] =	vst v0  }
0x28: {  	[tilespmem:$0x50A0] =	vst v0  }
0x29: {  	[tilespmem:$0x5090] =	vst v0  }
0x2a: {  	[tilespmem:$0x5080] =	vst v0  }
0x2b: {  	[tilespmem:$0x5070] =	vst v0  }
0x2c: {  	[tilespmem:$0x5060] =	vst v0  }
0x2d: {  	[tilespmem:$0x5050] =	vst v0  }
0x2e: {  	[tilespmem:$0x5040] =	vst v0  }
0x2f: {  	[tilespmem:$0x5030] =	vst v0  }
0x30: {  	[tilespmem:$0x5020] =	vst v0  }
0x31: {  	[tilespmem:$0x5000] =	vst v0  }
0x32: {  	[tilespmem:$0x5010] =	vst v0  }
0x33: {  	[spmem:s10] =	stream.linear.scatter [tilespmem:s11], [sflag:$0x1], $0x280, $0x38;
	[tilespmem:$0x5500] =	vst v63  }
0x34: {  	s13 =	simm.s32 @p1 $0x0;
	_ =	swait.ge [sflag:s2], $0x280  }
0x35: {  	s14 =	simm.s32 @p1 $0x80;
	s15 =	simm.s32 @p1 $0x100;
	[sflag:s2] =	ssyncset.done $0x0  }
0x36: {  	s16 =	simm.s32 @p1 $0x1;
	[sflag:s2] =	ssyncadd.s32 $0xFFFFFD80  }
0x37: {  	[tilespmem:s13], [sflag:$0x1] =	stream.strided.gather @p1 [hbm4b:s9+s14], $0xA00, s15, s14, $0x38;
	[tilespmem:$0x5500] =	vst v63  }
0x38: {  	_ =	swait.ge @p1 [sflag:s16], $0xA00  }
0x39: {  	[sflag:s16] =	ssyncset.done @p1 $0x0  }
0x3a: {  	s14 =	simm.s32 @p1 $0xA00;
	s15 =	simm.s32 @p1 $0x2800;
	[sflag:s16] =	ssyncadd.s32 @p1 $0xFFFFF600  }
0x3b: {  	[bflag:$0x0] =	sbarrier.arrive @p1 $0xFFFF  }
0x3c: {  	[spmem:s1] =	stream.indirect.scatter.add.f32 @p1 [tilespmem:s15], [sflag:$0x1], $0x1, s13, s14, $0xb8;
	[tilespmem:$0x5500] =	vst v63  }
0x3d: {  	s13 =	simm.s32 @!p1 $0x0;
	_ =	swait.ge @p1 [sflag:s16], $0xA00  }
0x3e: {  	s14 =	simm.s32 @!p1 $0x80;
	s15 =	simm.s32 @!p1 $0x100;
	[sflag:s16] =	ssyncset.done @p1 $0x0  }
0x3f: {  	[sflag:s16] =	ssyncadd.s32 @p1 $0xFFFFF600;
	s16 =	simm.s32 @!p1 $0x1  }
0x40: {  	[tilespmem:s13], [sflag:$0x1] =	stream.strided.gather @!p1 [hbm4b:s8+s14], $0x2800, s15, s14, $0x38;
	[tilespmem:$0x5500] =	vst v63  }
0x41: {  	_ =	swait.ge @!p1 [sflag:s16], $0x2800  }
0x42: {  	[sflag:s16] =	ssyncset.done @!p1 $0x0  }
0x43: {  	s14 =	simm.s32 @!p1 $0x2800;
	[sflag:s16] =	ssyncadd.s32 @!p1 $0xFFFFD800  }
0x44: {  	[bflag:$0x0] =	sbarrier.arrive @!p1 $0xFFFF  }
0x45: {  	[spmem:s1] =	stream.indirect.scatter.add.f32 @!p1 [tilespmem:s14], [sflag:$0x1], $0x1, s13, s14, $0xb8;
	[tilespmem:$0x5500] =	vst v63  }
0x46: {  	_ =	swait.ge @!p1 [sflag:s16], $0x2800  }
0x47: {  	[sflag:s16] =	ssyncset.done @!p1 $0x0  }
0x48: {  	s13 =	simm.s32 @!p0 $0x1C01;
	[sflag:s16] =	ssyncadd.s32 @!p1 $0xFFFFD800  }
0x49: {  	s14 =	simm.s32 @!p0 $0x1;
	[bflag:$0x0] =	sbarrier.arrive $0xFFFF  }
0x4a: {  	[hbm:s3], [sflag:s13] =	dma.local @!p0 [spmem:s7], $0x500  }
0x4b: {  	_ =	swait.ge @!p0 [sflag:s14], $0x500  }
0x4c: {  	[sflag:s14] =	ssyncset.done @!p0 $0x0  }
0x4d: {  	[sflag:s14] =	ssyncadd.s32 @!p0 $0xFFFFFB00  }
0x4e: {  	[tilespmem:s6], [sflag:$0x1] =	stream.linear.gather [hbm4b:s5+s4], $0x2800, $0x38;
	[tilespmem:$0x5500] =	vst v63  }
0x4f: {  	_ =	swait.ge [sflag:s2], $0x2800  }
0x50: {  	[sflag:s2] =	ssyncset.done $0x0  }
0x51: {  	[sflag:s2] =	ssyncadd.s32 $0xFFFFD800  }
0x52: {  	[tilespmem:$0x5270] =	vst v0  }
0x53: {  	[tilespmem:$0x5260] =	vst v0  }
0x54: {  	[tilespmem:$0x5250] =	vst v0  }
0x55: {  	[tilespmem:$0x5240] =	vst v0  }
0x56: {  	[tilespmem:$0x5230] =	vst v0  }
0x57: {  	[tilespmem:$0x5220] =	vst v0  }
0x58: {  	[tilespmem:$0x5210] =	vst v0  }
0x59: {  	[tilespmem:$0x5200] =	vst v0  }
0x5a: {  	[tilespmem:$0x51F0] =	vst v0  }
0x5b: {  	[tilespmem:$0x51E0] =	vst v0  }
0x5c: {  	[tilespmem:$0x51D0] =	vst v0  }
0x5d: {  	[tilespmem:$0x51C0] =	vst v0  }
0x5e: {  	[tilespmem:$0x51B0] =	vst v0  }
0x5f: {  	[tilespmem:$0x51A0] =	vst v0  }
0x60: {  	[tilespmem:$0x5190] =	vst v0  }
0x61: {  	[tilespmem:$0x5180] =	vst v0  }
0x62: {  	[tilespmem:$0x5170] =	vst v0  }
0x63: {  	[tilespmem:$0x5160] =	vst v0  }
0x64: {  	[tilespmem:$0x5150] =	vst v0  }
0x65: {  	[tilespmem:$0x5140] =	vst v0  }
0x66: {  	[tilespmem:$0x5130] =	vst v0  }
0x67: {  	[tilespmem:$0x5120] =	vst v0  }
.Ltmp1:
0x68: {  	[tilespmem:$0x5110] =	vst v0;
	(pc) =	sbr.rel @p2 .LBB2_1-.Ltmp1, $4  }
0x69: {  	[tilespmem:$0x5100] =	vst v0  }
0x6a: {  	[tilespmem:$0x50F0] =	vst v0  }
0x6b: {  	[tilespmem:$0x50E0] =	vst v0  }
0x6c: {  	[tilespmem:$0x50D0] =	vst v0  }
.LBB2_2:
0x6d: {  	[tilespmem:$0x50C0] =	vst v0  }
0x6e: {  	[tilespmem:$0x50B0] =	vst v0  }
0x6f: {  	[tilespmem:$0x50A0] =	vst v0  }
0x70: {  	[tilespmem:$0x5090] =	vst v0  }
0x71: {  	[tilespmem:$0x5080] =	vst v0  }
0x72: {  	[tilespmem:$0x5070] =	vst v0  }
0x73: {  	[tilespmem:$0x5060] =	vst v0  }
0x74: {  	[tilespmem:$0x5050] =	vst v0  }
0x75: {  	[tilespmem:$0x5040] =	vst v0  }
0x76: {  	[tilespmem:$0x5030] =	vst v0  }
0x77: {  	[tilespmem:$0x5020] =	vst v0  }
0x78: {  	[tilespmem:$0x5000] =	vst v0  }
0x79: {  	[tilespmem:$0x5010] =	vst v0  }
0x7a: {  	[spmem:s10] =	stream.linear.scatter [tilespmem:s11], [sflag:$0x1], $0x280, $0x38;
	[tilespmem:$0x5500] =	vst v63  }
0x7b: {  	_ =	swait.ge [sflag:s2], $0x280  }
0x7c: {  	s4 =	simm.s32 @p1 $0x0;
	s5 =	simm.s32 @p1 $0x80;
	[sflag:s2] =	ssyncset.done $0x0  }
0x7d: {  	s6 =	simm.s32 @p1 $0x100;
	[sflag:s2] =	ssyncadd.s32 $0xFFFFFD80;
	s2 =	simm.s32 @p1 $0x1  }
0x7e: {  	[tilespmem:s4], [sflag:$0x1] =	stream.strided.gather @p1 [hbm4b:s9+s5], $0xA00, s6, s5, $0x38;
	[tilespmem:$0x5500] =	vst v63  }
0x7f: {  	_ =	swait.ge @p1 [sflag:s2], $0xA00  }
0x80: {  	[sflag:s2] =	ssyncset.done @p1 $0x0  }
0x81: {  	[sflag:s2] =	ssyncadd.s32 @p1 $0xFFFFF600  }
0x82: {  	s5 =	simm.s32 @p1 $0xA00;
	s6 =	simm.s32 @p1 $0x2800;
	[bflag:$0x0] =	sbarrier.arrive @p1 $0xFFFF  }
0x83: {  	[spmem:s1] =	stream.indirect.scatter.add.f32 @p1 [tilespmem:s6], [sflag:$0x1], $0x1, s4, s5, $0xb8;
	[tilespmem:$0x5500] =	vst v63  }
0x84: {  	_ =	swait.ge @p1 [sflag:s2], $0xA00  }
0x85: {  	s4 =	simm.s32 @!p1 $0x0;
	s5 =	simm.s32 @!p1 $0x80;
	[sflag:s2] =	ssyncset.done @p1 $0x0  }
0x86: {  	s6 =	simm.s32 @!p1 $0x100;
	[sflag:s2] =	ssyncadd.s32 @p1 $0xFFFFF600;
	s2 =	simm.s32 @!p1 $0x1  }
0x87: {  	[tilespmem:s4], [sflag:$0x1] =	stream.strided.gather @!p1 [hbm4b:s8+s5], $0x2800, s6, s5, $0x38;
	[tilespmem:$0x5500] =	vst v63  }
0x88: {  	_ =	swait.ge @!p1 [sflag:s2], $0x2800  }
0x89: {  	[sflag:s2] =	ssyncset.done @!p1 $0x0  }
0x8a: {  	[sflag:s2] =	ssyncadd.s32 @!p1 $0xFFFFD800  }
0x8b: {  	s5 =	simm.s32 @!p1 $0x2800;
	[bflag:$0x0] =	sbarrier.arrive @!p1 $0xFFFF  }
0x8c: {  	[spmem:s1] =	stream.indirect.scatter.add.f32 @!p1 [tilespmem:s5], [sflag:$0x1], $0x1, s4, s5, $0xb8;
	[tilespmem:$0x5500] =	vst v63  }
0x8d: {  	_ =	swait.ge @!p1 [sflag:s2], $0x2800  }
0x8e: {  	[sflag:s2] =	ssyncset.done @!p1 $0x0  }
0x8f: {  	[sflag:s2] =	ssyncadd.s32 @!p1 $0xFFFFD800  }
0x90: {  	s1 =	simm.s32 @!p0 $0x1C01;
	s2 =	simm.s32 @!p0 $0x1;
	[bflag:$0x0] =	sbarrier.arrive $0xFFFF  }
0x91: {  	[hbm:s3], [sflag:s1] =	dma.local @!p0 [spmem:s7], $0x500  }
0x92: {  	_ =	swait.ge @!p0 [sflag:s2], $0x500  }
0x93: {  	[sflag:s2] =	ssyncset.done @!p0 $0x0  }
0x94: {  	[sflag:s2] =	ssyncadd.s32 @!p0 $0xFFFFFB00  }
0x95: {  	_ =	sfence.sel $0x180000  }
0x96: {  	[bflag:$0x0] =	sbarrier.arrive $0xFFFF  }
0x97: {  	_ =	strace $0x90000047  }
0x98: {  	s0 =	sadd.s32 @!p0 $0x100000, s0;
	[bflag:$0x2] =	sbarrier.arrive $0xFFFF  }
0x99: {  	[sflag:s0] =	ssyncadd.tile.s32 @!p0 $0x1;
	_ =	shalt  }
.Lfunc_end2:
_tile_overlayer_lowered:
.L_overlay_start_2:
0x9a: {  	(tag) =	ssettag $0x2  }
0x9b: {  	s0 =	rddreg [dreg:$0x0];
	s2 =	stileid.u32  }
0x9c: {  	s1 =	rddreg [dreg:$0x1];
	p0 =	sne.s32 s2, $0x0  }
0x9d: {  	s3 =	rddreg [dreg:$0x2];
	[bflag:$0x3] =	sbarrier.arrive $0xFFFF;
	s2 =	simm.s32 @!p0 $0x1C01  }
0x9e: {  	[timem:s3], [sflag:s2] =	dma.local @!p0 [hbm:s0], s1  }
0x9f: {  	s0 =	simm.s32 @!p0 $0x1  }
0xa0: {  	_ =	swait.ge @!p0 [sflag:s0], s1  }
0xa1: {  	s1 =	ssub.s32 @!p0 $0x0, s1;
	[sflag:s0] =	ssyncset.done @!p0 $0x0  }
0xa2: {  	[sflag:s0] =	ssyncadd.s32 @!p0 s1  }
0xa3: {  	[bflag:$0x3] =	sbarrier.arrive $0xFFFF  }
0xa4: {  	_ =	shalt  }

// kernel: kernel.8.cloned.1.call-start
scs
__scs_entry_jumppad:
0x0: {  	(pc) =	sbr.rel $0x88, $3  }
0x1: {  	(tag) =	ssettag $0x0;
	lr =	simm.s32 $0x1  }
0x2: {  	[smem:$0x3F9D] =	sst lr;
	_ =	strace $0xD0000000  }
0x3: {  	_ = 	snop  }
0x4: {  	_ = 	snop  }
0x5: {  	_ = 	snop  }
0x6: {  	_ = 	snop  }
0x7: {  	_ = 	snop  }
__scs_overlays_trampoline_lowered:
0x8: {  	[smem:$0x3FAC] =	sst s0  }
0x9: {  	[smem:$0x3FAD] =	sst s1  }
0xa: {  	[smem:$0x3FAE] =	sst s2  }
0xb: {  	[smem:$0x3FAF] =	sst s3  }
0xc: {  	[smem:$0x3FB0] =	sst s4  }
0xd: {  	[smem:$0x3FB1] =	sst s5  }
0xe: {  	[smem:$0x3FB2] =	sst s6  }
0xf: {  	[smem:$0x3FB3] =	sst s7  }
0x10: {  	[smem:$0x3FB4] =	sst s8  }
0x11: {  	[smem:$0x3FB5] =	sst s9;
	s0 =	simm.s32 @!p0 $0x0  }
0x12: {  	s1 =	sld [smem:$0x3F9B];
	s0 =	simm.s32 @p0 $0x1  }
0x13: {  	[smem:$0x3FB6] =	sst s0;
	s0 =	simm.s32 @!p1 $0x0  }
0x14: {  	s2 =	sld [smem:$0x3F9A];
	s0 =	simm.s32 @p1 $0x1  }
0x15: {  	[smem:$0x3FB7] =	sst s0;
	s0 =	simm.s32 @!p2 $0x0  }
0x16: {  	s3 =	sld [smem:$0x3FDB];
	s0 =	simm.s32 @p2 $0x1  }
0x17: {  	s4 =	simm.s32 $0x1BF5;
	[smem:$0x3FB9] =	sst s0  }
0x18: {  	s0 =	sld [smem:$0x3F9C];
	_ =	swait.ge [sflag:s4], $0x0  }
0x19: {  	s7 =	sld [smem:$0x3F9D]  }
0x1a: {  	s8 =	sadd.s32 $0xFFFFE003, lr  }
0x1b: {  	s9 =	sadd.s32 $0xFFFFFEF7, lr;
	s5 =	simm.s32 $0xFFFFFFFF;
	p2 =	slt.u32 s8, $0xFFFFF086  }
0x1c: {  	p1 =	slt.u32 s9, $0xF7A;
	s5 =	simm.s32 @!p2 $0x0  }
0x1d: {  	s5 =	simm.s32 @p1 $0x1;
	p0 =	seq.s32 s7, s2  }
0x1e: {  	s7 =	smul.u32 @!p0 $0xF7A, s2;
	p2 =	seq.s32 @!p0 s5, $0x0  }
0x1f: {  	s9 =	smul.u32 $0xF7A, s1;
	s8 =	simm.s32 @!p0 $0x1BF5;
	p2 =	por !p2, p0  }
0x20: {  	[sflag:s8] =	ssyncset.s32 @!p0 $0xFFFFF086;
	s6 =	sadd.s32 @!p0 s3, s7;
	s7 =	simm.s32 @!p0 $0x108  }
0x21: {  	s3 =	sadd.s32 s3, s9;
	s6 =	sadd.s32 @!p0 $0x88, s6;
	s7 =	simm.s32 @p2 $0x1082  }
0x22: {  	[simem:s7], [sflag:s8] =	dma.local @!p0 [hbm:s6], $0xF7A  }
0x23: {  	s9 =	sor.u32 $0xD0000000, s2;
	s6 =	simm.s32 $0x108;
	_ =	swait.ge @!p0 [sflag:s8], $0x0  }
0x24: {  	s3 =	sadd.s32 $0x88, s3;
	s6 =	simm.s32 @!p1 $0x1082;
	[sflag:s4] =	ssyncset.s32 $0xFFFFF086  }
0x25: {  	[simem:s6], [sflag:s4] =	dma.local [hbm:s3], $0xF7A  }
0x26: {  	[smem:$0x3F9D] =	sst s1;
	(tag) =	ssettag s2;
	_ =	strace s9  }
0x27: {  	s1 =	sld [smem:$0x3FAD]  }
0x28: {  	s2 =	sld [smem:$0x3FAE]  }
0x29: {  	s4 =	sld [smem:$0x3FB0]  }
0x2a: {  	p0 =	seq.s32 s5, $0x0;
	s5 =	sld [smem:$0x3FB1]  }
0x2b: {  	s6 =	sld [smem:$0x3FB2]  }
0x2c: {  	s7 =	sld [smem:$0x3FB3]  }
0x2d: {  	s3 =	simm.s32 $0x108;
	s8 =	sld [smem:$0x3FB4]  }
0x2e: {  	s3 =	simm.s32 @!p0 $0x1082;
	s9 =	sld [smem:$0x3FB5]  }
0x2f: {  	lr =	sadd.s32 s0, s3;
	s0 =	sld [smem:$0x3FAC]  }
0x30: {  	s3 =	sld [smem:$0x3FAF]  }
0x31: {  	[smem:$0x3FB8] =	sst s10  }
0x32: {  	s10 =	sld [smem:$0x3FB6];
	_ =	sdelay $0x3  }
0x33: {  	p0 =	seq.s32 s10, $0x1;
	s10 =	sld [smem:$0x3FB8];
	_ =	sdelay $0x3  }
0x34: {  	[smem:$0x3FB8] =	sst s10  }
0x35: {  	s10 =	sld [smem:$0x3FB7];
	_ =	sdelay $0x3  }
0x36: {  	p1 =	seq.s32 s10, $0x1;
	s10 =	sld [smem:$0x3FB8];
	_ =	sdelay $0x3  }
0x37: {  	[smem:$0x3FB8] =	sst s10  }
0x38: {  	s10 =	sld [smem:$0x3FB9]  }
0x39: {  	_ = 	snop;
	(pc) =	sbr.ind lr, $3  }
0x3a: {  	_ = 	snop  }
0x3b: {  	_ = 	snop  }
0x3c: {  	p2 =	seq.s32 s10, $0x1;
	s10 =	sld [smem:$0x3FB8]  }
0x3d: {  	_ =	shalt  }
0x3e: {  	_ =	shalt  }
0x3f: {  	_ =	shalt  }
0x40: {  	_ =	shalt  }
0x41: {  	_ =	shalt  }
0x42: {  	_ =	shalt  }
0x43: {  	_ =	shalt  }
0x44: {  	_ =	shalt  }
0x45: {  	_ =	shalt  }
0x46: {  	_ =	shalt  }
0x47: {  	_ =	shalt  }
0x48: {  	_ =	shalt  }
0x49: {  	_ =	shalt  }
0x4a: {  	_ =	shalt  }
0x4b: {  	_ =	shalt  }
0x4c: {  	_ =	shalt  }
0x4d: {  	_ =	shalt  }
0x4e: {  	_ =	shalt  }
0x4f: {  	_ =	shalt  }
0x50: {  	_ =	shalt  }
0x51: {  	_ =	shalt  }
0x52: {  	_ =	shalt  }
0x53: {  	_ =	shalt  }
0x54: {  	_ =	shalt  }
0x55: {  	_ =	shalt  }
0x56: {  	_ =	shalt  }
0x57: {  	_ =	shalt  }
0x58: {  	_ =	shalt  }
0x59: {  	_ =	shalt  }
0x5a: {  	_ =	shalt  }
0x5b: {  	_ =	shalt  }
0x5c: {  	_ =	shalt  }
0x5d: {  	_ =	shalt  }
0x5e: {  	_ =	shalt  }
0x5f: {  	_ =	shalt  }
0x60: {  	_ =	shalt  }
0x61: {  	_ =	shalt  }
0x62: {  	_ =	shalt  }
0x63: {  	_ =	shalt  }
0x64: {  	_ =	shalt  }
0x65: {  	_ =	shalt  }
0x66: {  	_ =	shalt  }
0x67: {  	_ =	shalt  }
0x68: {  	_ =	shalt  }
0x69: {  	_ =	shalt  }
0x6a: {  	_ =	shalt  }
0x6b: {  	_ =	shalt  }
0x6c: {  	_ =	shalt  }
0x6d: {  	_ =	shalt  }
0x6e: {  	_ =	shalt  }
0x6f: {  	_ =	shalt  }
0x70: {  	_ =	shalt  }
0x71: {  	_ =	shalt  }
0x72: {  	_ =	shalt  }
0x73: {  	_ =	shalt  }
0x74: {  	_ =	shalt  }
0x75: {  	_ =	shalt  }
0x76: {  	_ =	shalt  }
0x77: {  	_ =	shalt  }
0x78: {  	_ =	shalt  }
0x79: {  	_ =	shalt  }
0x7a: {  	_ =	shalt  }
0x7b: {  	_ =	shalt  }
0x7c: {  	_ =	shalt  }
0x7d: {  	_ =	shalt  }
0x7e: {  	_ =	shalt  }
0x7f: {  	_ =	shalt  }
0x80: {  	_ =	shalt  }
0x81: {  	_ =	shalt  }
0x82: {  	_ =	shalt  }
0x83: {  	_ =	shalt  }
0x84: {  	_ =	shalt  }
0x85: {  	_ =	shalt  }
0x86: {  	_ =	shalt  }
0x87: {  	_ =	shalt  }
.Lfunc_end0:
.L_simem_size_0:
called_computation.1_lowered:
.L_overlay_start_0:
0x88: {  	s2 =	sld [smem:$0x3FD9]  }
0x89: {  	s3 =	sld [smem:$0x3FFE];
	_ =	sdelay $0x1  }
0x8a: {  	s1 =	srdreg.scid  }
0x8b: {  	s0 =	sand.u32 $0x1, s1  }
0x8c: {  	s17 =	sshll.u32 s0, $0xA;
	s2 =	sadd.s32 s3, s2  }
0x8d: {  	s2 =	sadd.s32 s2, s17  }
0x8e: {  	[smem:$0x3FC4] =	sst s2  }
0x8f: {  	_ = 	snop  }
0x90: {  	s2 =	sld [smem:$0x3FC8];
	(tm) =	ssettm $0x1  }
0x91: {  	s18 =	sld [smem:$0x3FFB];
	_ =	sdelay $0x3  }
0x92: {  	_ =	strace s18  }
0x93: {  	s3 =	sld [smem:$0x3FFC];
	_ =	sdelay $0x3  }
0x94: {  	_ =	strace s3  }
0x95: {  	s3 =	sld [smem:$0x3FFD];
	_ =	sdelay $0x3  }
0x96: {  	_ =	strace s3  }
0x97: {  	_ =	strace $0x8FFFFFFF  }
0x98: {  	s19 =	sld [smem:$0x3FDB];
	_ =	sdelay $0x1  }
0x99: {  	s4 =	simm.s32 $_scs_section_size  }
0x9a: {  	s5 =	simm.s32 $_size__tile_overlayer_lowered;
	s6 =	simm.s32 $_tile_overlayer_lowered  }
0x9b: {  	s22 =	simm.s32 $0x1BFF;
	s21 =	sshll.u32 s6, $0x1;
	s3 =	sadd.s32 s4, s19  }
0x9c: {  	s7 =	simm.s32 $0x0;
	s20 =	sshll.u32 s5, $0x1;
	s5 =	sadd.s32 s21, s3  }
0x9d: {  	[timem:s7], [sflag:s22] =	dma.local [hbm:s5], s20  }
0x9e: {  	_ =	swait.ge [sflag:s22], s20  }
0x9f: {  	s4 =	ssub.s32 $0x0, s20;
	[sflag:s22] =	ssyncset.done $0x0  }
0xa0: {  	[sflag:s22] =	ssyncadd.s32 s4;
	_ =	sdelay $0x1  }
0xa1: {  	s23 =	simm.s32 $0x1B8B  }
0xa2: {  	_ =	swait.ge [sflag:s23], $0x1  }
0xa3: {  	[sflag:s23] =	ssyncset.done $0x0  }
0xa4: {  	s25 =	simm.s32 $0x1B8E;
	s24 =	sld [smem:$0x3FFE];
	[sflag:s23] =	ssyncadd.s32 $0xFFFFFFFF  }
0xa5: {  	s26 =	simm.s32 $execute0_lowered;
	[smem:$0x3FD2] =	sst s25  }
0xa6: {  	s5 =	sshll.u32 s26, $0x1;
	_ =	strace $0x80000049;
	[dreg:$0x1] =	wrdreg $0xFFFFFFFF  }
0xa7: {  	s28 =	simm.s32 $_size_execute0_lowered;
	s3 =	sadd.s32 s3, s5;
	[dreg:$0x0] =	wrdreg $0x0  }
0xa8: {  	s5 =	sshll.u32 s28, $0x1;
	[dreg:$0x2] =	wrdreg s3  }
0xa9: {  	[dreg:$0x3] =	wrdreg s5  }
0xaa: {  	[dreg:$0x4] =	wrdreg $0xC0  }
0xab: {  	_ =	task [dreg:s7], $0x5FFFF  }
0xac: {  	[dreg:$0x1] =	wrdreg $0xFFFFFFFF  }
0xad: {  	[dreg:$0x0] =	wrdreg $0x60  }
0xae: {  	[dreg:$0x2] =	wrdreg s2  }
0xaf: {  	[dreg:$0x3] =	wrdreg s24  }
0xb0: {  	[dreg:$0x4] =	wrdreg $0x7F800  }
0xb1: {  	[dreg:$0x5] =	wrdreg $0x82000  }
0xb2: {  	[dreg:$0x6] =	wrdreg $0x9  }
0xb3: {  	_ =	task.clear_ibuf [dreg:s7], $0x7FFFF;
	_ =	strace $0x90000049  }
0xb4: {  	s29 =	simm.s32 $0x9;
	_ =	strace $0x8000004B  }
0xb5: {  	_ =	swait.ge [sflag:s29], $0x1  }
0xb6: {  	[sflag:s29] =	ssyncadd.s32 $0xFFFFFFFF  }
0xb7: {  	_ =	strace $0x9000004B  }
0xb8: {  	_ =	sfence  }
0xb9: {  	s30 =	sld [smem:$0x0];
	_ =	sdelay $0x2  }
0xba: {  	s31 =	sshll.u32 s1, $0xD;
	s1 =	sshrl.u32 s1, $0x2  }
0xbb: {  	s3 =	sand.u32 $0x4000, s31;
	s1 =	sadd.s32 s1, s30  }
0xbc: {  	s0 =	sor.u32 s3, s0;
	s1 =	sshll.u32 s1, $0x11  }
0xbd: {  	s0 =	sor.u32 s1, s0  }
0xbe: {  	s0 =	sadd.s32 $0x8F2B, s0  }
0xbf: {  	[sflag:s0] =	ssyncadd.remote.s32 $0x1  }
0xc0: {  	_ =	sfence.sel $0xFFFF  }
0xc1: {  	[dreg:$0x0] =	wrdreg $0xFFFFFFFF;
	(pc) =	sbr.abs _section_cstart, $3  }
0xc2: {  	[dreg:$0x1] =	wrdreg $0xFFFFFFFF  }
0xc3: {  	_ =	task.clear_ibuf [dreg:s7], $0x2FFFF;
	_ =	strace $0x9FFFFFFF  }
0xc4: {  	(tm) =	ssettm $0x7FFFFFFF  }
0xc5: {  	_ =	shalt  }
tec
execute0_lowered:
.L_overlay_start_1:
0x0: {  	(tag) =	ssettag $0x1  }
0x1: {  	s0 =	rddreg [dreg:$0x0]  }
0x2: {  	s13 =	rddreg [dreg:$0x1]  }
0x3: {  	s1 =	rddreg [dreg:$0x2]  }
0x4: {  	s3 =	srdreg.scid;
	s2 =	rddreg [dreg:$0x3]  }
0x5: {  	s14 =	stileid.u32;
	s23 =	simm.s32 $0x1;
	s26 =	simm.s32 $0x7A80  }
0x6: {  	s28 =	simm.s32 $0x7B80;
	s29 =	simm.s32 $0x7C80;
	s30 =	simm.s32 $0x7D00  }
0x7: {  	s31 =	simm.s32 $0x0;
	s10 =	sand.u32 $0x1, s3;
	s3 =	simm.s32 $0x0  }
0x8: {  	s11 =	smul.u32 $0x280, s14;
	p1 =	sne.s32 s14, $0x0;
	s4 =	sshll.u32 s10, $0x4  }
0x9: {  	[smem:$0x7FF] =	sst s3;
	s5 =	ssub.s32 $0x2, s10;
	p0 =	seq.s32 s10, $0x1  }
0xa: {  	s15 =	sor.u32 s14, s4;
	_ =	strace $0x8000004A;
	s6 =	sshrl.u32 s11, $0x3  }
0xb: {  	s7 =	sshrl.u32 s5, $0x1;
	s10 =	sadd.s32 s11, s1;
	s11 =	sadd.s32 s11, s2  }
0xc: {  	s4 =	smul.u32 $0xA00, s15;
	s9 =	sadd.s32 s6, s13;
	s12 =	ssub.s32 s5, s7  }
0xd: {  	s6 =	sadd.s32 $0x13600, s0;
	s7 =	sadd.s32 $0x13610, s0;
	s8 =	sadd.s32 $0x2A00, s9  }
0xe: {  	s9 =	sadd.s32 $0x3000, s9;
	s12 =	smax.u32 s12, $0x1;
	s4 =	sadd.s32 s0, s4  }
0xf: {  	s0 =	simm.s32 $0x3600;
	s17 =	sadd.s32 $0x20, s8;
	s19 =	sadd.s32 $0x30, s8  }
0x10: {  	s21 =	sadd.s32 $0x40, s8;
	s5 =	sadd.s32 $0x10, s4;
	s0 =	simm.s32 @!p0 $0x2400  }
0x11: {  	v0 =	vimm.f32 $1.000000000e+00;
	v1 =	vimm.f32 $0.0e+00;
	p0 =	seq.s32 s15, $0x1F;
	s15 =	sadd.s32 $0x10, s8;
	s13 =	sadd.s32 s0, s13  }
.LBB2_1:
0x12: {  	s0 =	simm.s32 @p0 $0x80;
	s14 =	simm.s32 @p0 $0x100;
	s16 =	simm.s32 @p0 $0x0  }
0x13: {  	[tilespmem:s16], [sflag:$0x1] =	stream.strided.gather @p0 [hbm4b:s6+s0], $0xA00, s14, s0, $0x38;
	[tilespmem:$0x8480] =	vst v63  }
0x14: {  	s16 =	simm.s32 @p0 $0x1  }
0x15: {  	_ =	swait.ge @p0 [sflag:s16], $0xA00  }
0x16: {  	[sflag:s16] =	ssyncset.done @p0 $0x0  }
0x17: {  	s18 =	simm.s32 @p0 $0x2800;
	[sflag:s16] =	ssyncadd.s32 @p0 $0xFFFFF600  }
0x18: {  	[tilespmem:s18], [sflag:$0x1] =	stream.strided.gather @p0 [hbm4b:s7+s0], $0xA00, s14, s0, $0x38;
	[tilespmem:$0x8480] =	vst v63  }
0x19: {  	_ =	swait.ge @p0 [sflag:s16], $0xA00  }
0x1a: {  	s0 =	simm.s32 @!p0 $0x80;
	[sflag:s16] =	ssyncset.done @p0 $0x0  }
0x1b: {  	s14 =	simm.s32 @!p0 $0x100;
	[sflag:s16] =	ssyncadd.s32 @p0 $0xFFFFF600;
	s16 =	simm.s32 @!p0 $0x0  }
0x1c: {  	[tilespmem:s16], [sflag:$0x1] =	stream.strided.gather @!p0 [hbm4b:s4+s0], $0x2800, s14, s0, $0x38;
	[tilespmem:$0x8480] =	vst v63  }
0x1d: {  	s16 =	simm.s32 @!p0 $0x1  }
0x1e: {  	_ =	swait.ge @!p0 [sflag:s16], $0x2800  }
0x1f: {  	[sflag:s16] =	ssyncset.done @!p0 $0x0  }
0x20: {  	s18 =	simm.s32 @!p0 $0x2800;
	[sflag:s16] =	ssyncadd.s32 @!p0 $0xFFFFD800  }
0x21: {  	[tilespmem:s18], [sflag:$0x1] =	stream.strided.gather @!p0 [hbm4b:s5+s0], $0x2800, s14, s0, $0x38;
	[tilespmem:$0x8480] =	vst v63  }
0x22: {  	_ =	swait.ge @!p0 [sflag:s16], $0x2800  }
0x23: {  	[sflag:s16] =	ssyncset.done @!p0 $0x0  }
0x24: {  	s25 =	simm.s32 $0x7800;
	[sflag:s16] =	ssyncadd.s32 @!p0 $0xFFFFD800  }
0x25: {  	[tilespmem:s25], [sflag:$0x1] =	stream.linear.gather [hbm4b:s8+s3], $0x80, $0x38;
	[tilespmem:$0x8480] =	vst v63  }
0x26: {  	s14 =	simm.s32 $0x7900  }
0x27: {  	[tilespmem:s14], [sflag:$0x1] =	stream.linear.gather [hbm4b:s15+s3], $0x80, $0x38;
	[tilespmem:$0x8480] =	vst v63  }
0x28: {  	s16 =	simm.s32 $0x7A00  }
0x29: {  	[tilespmem:s16], [sflag:$0x1] =	stream.linear.gather [hbm4b:s17+s3], $0x80, $0x38;
	[tilespmem:$0x8480] =	vst v63  }
0x2a: {  	s18 =	simm.s32 $0x7B00  }
0x2b: {  	[tilespmem:s18], [sflag:$0x1] =	stream.linear.gather [hbm4b:s19+s3], $0x80, $0x38;
	[tilespmem:$0x8480] =	vst v63  }
0x2c: {  	s20 =	simm.s32 $0x7C00  }
0x2d: {  	[tilespmem:s20], [sflag:$0x1] =	stream.linear.gather [hbm4b:s21+s3], $0x80, $0x38;
	[tilespmem:$0x8480] =	vst v63  }
0x2e: {  	_ =	swait.ge [sflag:s23], $0x280  }
0x2f: {  	[sflag:s23] =	ssyncset.done $0x0  }
0x30: {  	s22 =	simm.s32 $0x7880;
	[sflag:s23] =	ssyncadd.s32 $0xFFFFFD80  }
0x31: {  	[tilespmem:s22], [sflag:$0x1] =	stream.linear.gather [hbm4b:s9+s3], $0x80, $0x38;
	[tilespmem:$0x8480] =	vst v63  }
0x32: {  	s24 =	sadd.s32 $0x10, s9;
	s25 =	simm.s32 $0x7980  }
0x33: {  	[tilespmem:s25], [sflag:$0x1] =	stream.linear.gather [hbm4b:s24+s3], $0x80, $0x38;
	[tilespmem:$0x8480] =	vst v63  }
0x34: {  	s16 =	sadd.s32 $0x20, s9  }
0x35: {  	[tilespmem:s26], [sflag:$0x1] =	stream.linear.gather [hbm4b:s16+s3], $0x80, $0x38;
	[tilespmem:$0x8480] =	vst v63  }
0x36: {  	s18 =	sadd.s32 $0x30, s9  }
0x37: {  	[tilespmem:s28], [sflag:$0x1] =	stream.linear.gather [hbm4b:s18+s3], $0x80, $0x38;
	[tilespmem:$0x8480] =	vst v63  }
0x38: {  	s20 =	sadd.s32 $0x40, s9  }
0x39: {  	[tilespmem:s29], [sflag:$0x1] =	stream.linear.gather [hbm4b:s20+s3], $0x80, $0x38;
	[tilespmem:$0x8480] =	vst v63  }
0x3a: {  	_ =	swait.ge [sflag:s23], $0x280  }
0x3b: {  	s22 =	sand.u32 $0x70, s3;
	s24 =	sand.u32 $0x700, s3;
	[sflag:s23] =	ssyncset.done $0x0  }
0x3c: {  	s0 =	sor.u32 s22, s24;
	[sflag:s23] =	ssyncadd.s32 $0xFFFFFD80  }
0x3d: {  	v2 =	vld [tilespmem:s0+$0x7800]  }
0x3e: {  	v3 =	vld [tilespmem:s0+$0x7880];
	_ =	sdelay $0x4  }
0x3f: {  	v2 =	vadd.f32 v3, v2;
	_ =	sdelay $0x1  }
0x40: {  	v2 =	vadd.f32 $1.000000000e+00, v2;
	_ =	sdelay $0x1  }
0x41: {  	vm0 =	vgt.f32 v2, $4.000000000e+00;
	v3 =	vmul.f32 $2.500000000e-01, v2  }
0x42: {  	v4 =	vsel vm0, $0x3F000000, v0  }
0x43: {  	v3 =	vsel vm0, v3, v2;
	v5 =	vmul.f32 $5.000000000e-01, v4  }
0x44: {  	vm0 =	vgt.f32 v3, $4.000000000e+00;
	v6 =	vmul.f32 $2.500000000e-01, v3  }
0x45: {  	v4 =	vsel vm0, v5, v4  }
0x46: {  	v3 =	vsel vm0, v6, v3;
	v5 =	vmul.f32 $5.000000000e-01, v4  }
0x47: {  	vm0 =	vgt.f32 v3, $4.000000000e+00;
	v6 =	vmul.f32 $2.500000000e-01, v3  }
0x48: {  	v4 =	vsel vm0, v5, v4  }
0x49: {  	v3 =	vsel vm0, v6, v3;
	v5 =	vmul.f32 $5.000000000e-01, v4  }
0x4a: {  	vm0 =	vgt.f32 v3, $4.000000000e+00;
	v6 =	vmul.f32 $2.500000000e-01, v3  }
0x4b: {  	v4 =	vsel vm0, v5, v4  }
0x4c: {  	v3 =	vsel vm0, v6, v3;
	v5 =	vmul.f32 $5.000000000e-01, v4  }
0x4d: {  	vm0 =	vgt.f32 v3, $4.000000000e+00;
	v6 =	vmul.f32 $2.500000000e-01, v3  }
0x4e: {  	v4 =	vsel vm0, v5, v4  }
0x4f: {  	v3 =	vsel vm0, v6, v3;
	v5 =	vmul.f32 $5.000000000e-01, v4  }
0x50: {  	vm0 =	vgt.f32 v3, $4.000000000e+00;
	v6 =	vmul.f32 $2.500000000e-01, v3  }
0x51: {  	v4 =	vsel vm0, v5, v4  }
0x52: {  	v3 =	vsel vm0, v6, v3;
	v5 =	vmul.f32 $5.000000000e-01, v4  }
0x53: {  	vm0 =	vgt.f32 v3, $4.000000000e+00;
	v6 =	vmul.f32 $2.500000000e-01, v3  }
0x54: {  	v4 =	vsel vm0, v5, v4  }
0x55: {  	v3 =	vsel vm0, v6, v3;
	v5 =	vmul.f32 $5.000000000e-01, v4  }
0x56: {  	vm0 =	vgt.f32 v3, $4.000000000e+00;
	v6 =	vmul.f32 $2.500000000e-01, v3  }
0x57: {  	v4 =	vsel vm0, v5, v4  }
0x58: {  	v3 =	vsel vm0, v6, v3;
	v5 =	vmul.f32 $5.000000000e-01, v4  }
0x59: {  	vm0 =	vgt.f32 v3, $4.000000000e+00  }
0x5a: {  	v3 =	vsel vm0, v5, v4  }
0x5b: {  	v2 =	vmul.f32 $5.000000000e-01, v2;
	v3 =	vmul.f32 $6.999999880e-01, v3;
	_ =	sdelay $0x1  }
0x5c: {  	v63 =	vmul.f32 v3, v2;
	_ =	sdelay $0x1  }
0x5d: {  	v4 =	vmul.f32 v63, v3;
	_ =	sdelay $0x1  }
0x5e: {  	v4 =	vsub.f32 $1.500000000e+00, v4;
	_ =	sdelay $0x1  }
0x5f: {  	v3 =	vmul.f32 v4, v3;
	_ =	sdelay $0x1  }
0x60: {  	v4 =	vmul.f32 v3, v2;
	_ =	sdelay $0x1  }
0x61: {  	v4 =	vmul.f32 v4, v3;
	_ =	sdelay $0x1  }
0x62: {  	v4 =	vsub.f32 $1.500000000e+00, v4;
	_ =	sdelay $0x1  }
0x63: {  	v3 =	vmul.f32 v4, v3;
	_ =	sdelay $0x1  }
0x64: {  	v4 =	vmul.f32 v3, v2;
	_ =	sdelay $0x1  }
0x65: {  	v4 =	vmul.f32 v4, v3;
	_ =	sdelay $0x1  }
0x66: {  	v4 =	vsub.f32 $1.500000000e+00, v4;
	_ =	sdelay $0x1  }
0x67: {  	v3 =	vmul.f32 v4, v3;
	_ =	sdelay $0x1  }
0x68: {  	v4 =	vmul.f32 v3, v2;
	_ =	sdelay $0x1  }
0x69: {  	v4 =	vmul.f32 v4, v3;
	_ =	sdelay $0x1  }
0x6a: {  	v4 =	vsub.f32 $1.500000000e+00, v4;
	_ =	sdelay $0x1  }
0x6b: {  	v3 =	vmul.f32 v4, v3;
	_ =	sdelay $0x1  }
0x6c: {  	v2 =	vmul.f32 v3, v2;
	_ =	sdelay $0x1  }
0x6d: {  	v2 =	vmul.f32 v2, v3;
	_ =	sdelay $0x1  }
0x6e: {  	s25 =	simm.s32 $0x10;
	v2 =	vsub.f32 $1.500000000e+00, v2  }
0x6f: {  	s14 =	sand.u32 $0x70, s25;
	s16 =	simm.s32 $0x20  }
0x70: {  	s18 =	simm.s32 $0x7D00;
	s20 =	simm.s32 $0x20;
	s0 =	simm.s32 $0x7D10;
	v2 =	vmul.f32 v2, v3  }
.LBB2_2:
0x71: {  	s22 =	smov.u32 s20  }
0x72: {  	s24 =	sand.u32 $0x70, s20;
	s25 =	sand.u32 $0x700, s16;
	s22 =	sadd.s32 $0x10, s20  }
0x73: {  	p2 =	sne.s32 s20, $0x270;
	s20 =	sor.u32 s14, s25;
	s14 =	smov.u32 s24;
	[tilespmem:s18+$0x0] =	vst v2  }
0x74: {  	s18 =	smov.u32 s0;
	v2 =	vld [tilespmem:s20+$0x7800]  }
0x75: {  	v3 =	vld [tilespmem:s20+$0x7880];
	_ =	sdelay $0x4  }
0x76: {  	v2 =	vadd.f32 v3, v2;
	_ =	sdelay $0x1  }
0x77: {  	v2 =	vadd.f32 $1.000000000e+00, v2;
	_ =	sdelay $0x1  }
0x78: {  	vm0 =	vgt.f32 v2, $4.000000000e+00;
	v3 =	vmul.f32 $2.500000000e-01, v2  }
0x79: {  	v4 =	vsel vm0, $0x3F000000, v0  }
0x7a: {  	v3 =	vsel vm0, v3, v2;
	v5 =	vmul.f32 $5.000000000e-01, v4  }
0x7b: {  	vm0 =	vgt.f32 v3, $4.000000000e+00;
	v6 =	vmul.f32 $2.500000000e-01, v3  }
0x7c: {  	v4 =	vsel vm0, v5, v4  }
0x7d: {  	v3 =	vsel vm0, v6, v3;
	v5 =	vmul.f32 $5.000000000e-01, v4  }
0x7e: {  	vm0 =	vgt.f32 v3, $4.000000000e+00;
	v6 =	vmul.f32 $2.500000000e-01, v3  }
0x7f: {  	v4 =	vsel vm0, v5, v4  }
0x80: {  	v3 =	vsel vm0, v6, v3;
	v5 =	vmul.f32 $5.000000000e-01, v4  }
0x81: {  	vm0 =	vgt.f32 v3, $4.000000000e+00;
	v6 =	vmul.f32 $2.500000000e-01, v3  }
0x82: {  	v4 =	vsel vm0, v5, v4  }
0x83: {  	v3 =	vsel vm0, v6, v3;
	v5 =	vmul.f32 $5.000000000e-01, v4  }
0x84: {  	vm0 =	vgt.f32 v3, $4.000000000e+00;
	v6 =	vmul.f32 $2.500000000e-01, v3  }
0x85: {  	v4 =	vsel vm0, v5, v4  }
0x86: {  	v3 =	vsel vm0, v6, v3;
	v5 =	vmul.f32 $5.000000000e-01, v4  }
0x87: {  	vm0 =	vgt.f32 v3, $4.000000000e+00;
	v6 =	vmul.f32 $2.500000000e-01, v3  }
0x88: {  	v4 =	vsel vm0, v5, v4  }
0x89: {  	v3 =	vsel vm0, v6, v3;
	v5 =	vmul.f32 $5.000000000e-01, v4  }
0x8a: {  	vm0 =	vgt.f32 v3, $4.000000000e+00;
	v6 =	vmul.f32 $2.500000000e-01, v3  }
0x8b: {  	v4 =	vsel vm0, v5, v4  }
0x8c: {  	v3 =	vsel vm0, v6, v3;
	v5 =	vmul.f32 $5.000000000e-01, v4  }
0x8d: {  	vm0 =	vgt.f32 v3, $4.000000000e+00;
	v6 =	vmul.f32 $2.500000000e-01, v3  }
0x8e: {  	v4 =	vsel vm0, v5, v4  }
0x8f: {  	v3 =	vsel vm0, v6, v3;
	v5 =	vmul.f32 $5.000000000e-01, v4  }
0x90: {  	vm0 =	vgt.f32 v3, $4.000000000e+00  }
0x91: {  	v2 =	vmul.f32 $5.000000000e-01, v2;
	v3 =	vsel vm0, v5, v4  }
0x92: {  	v3 =	vmul.f32 $6.999999880e-01, v3;
	_ =	sdelay $0x1  }
0x93: {  	v4 =	vmul.f32 v3, v2;
	_ =	sdelay $0x1  }
0x94: {  	v4 =	vmul.f32 v4, v3;
	_ =	sdelay $0x1  }
0x95: {  	v4 =	vsub.f32 $1.500000000e+00, v4;
	_ =	sdelay $0x1  }
0x96: {  	v3 =	vmul.f32 v4, v3;
	_ =	sdelay $0x1  }
0x97: {  	v4 =	vmul.f32 v3, v2;
	_ =	sdelay $0x1  }
0x98: {  	v4 =	vmul.f32 v4, v3;
	_ =	sdelay $0x1  }
0x99: {  	v4 =	vsub.f32 $1.500000000e+00, v4;
	_ =	sdelay $0x1  }
0x9a: {  	v3 =	vmul.f32 v4, v3;
	_ =	sdelay $0x1  }
0x9b: {  	v4 =	vmul.f32 v3, v2;
	_ =	sdelay $0x1  }
0x9c: {  	v4 =	vmul.f32 v4, v3;
	_ =	sdelay $0x1  }
0x9d: {  	v4 =	vsub.f32 $1.500000000e+00, v4;
	_ =	sdelay $0x1  }
0x9e: {  	v3 =	vmul.f32 v4, v3;
	_ =	sdelay $0x1  }
0x9f: {  	v4 =	vmul.f32 v3, v2;
	_ =	sdelay $0x1  }
0xa0: {  	v4 =	vmul.f32 v4, v3;
	_ =	sdelay $0x1  }
0xa1: {  	v4 =	vsub.f32 $1.500000000e+00, v4;
	_ =	sdelay $0x1  }
0xa2: {  	v3 =	vmul.f32 v4, v3;
	_ =	sdelay $0x1  }
0xa3: {  	v2 =	vmul.f32 v3, v2;
	_ =	sdelay $0x1  }
.Ltmp0:
0xa4: {  	v2 =	vmul.f32 v2, v3;
	(pc) =	sbr.rel @p2 .LBB2_2-.Ltmp0, $3  }
0xa5: {  	_ = 	snop  }
0xa6: {  	v2 =	vsub.f32 $1.500000000e+00, v2;
	_ =	sdelay $0x1  }
0xa7: {  	s16 =	sadd.s32 $0x20, s16;
	s0 =	sadd.s32 $0x10, s0;
	s20 =	smov.u32 s22;
	v2 =	vmul.f32 v2, v3  }
0xa8: {  	s16 =	sand.u32 $0x700, s16  }
0xa9: {  	s14 =	sor.u32 s14, s16;
	[tilespmem:s18+$0x0] =	vst v2  }
0xaa: {  	v2 =	vld [tilespmem:s14+$0x7800]  }
0xab: {  	v3 =	vld [tilespmem:s14+$0x7880];
	_ =	sdelay $0x4  }
0xac: {  	v2 =	vadd.f32 v3, v2;
	_ =	sdelay $0x1  }
0xad: {  	v2 =	vadd.f32 $1.000000000e+00, v2;
	_ =	sdelay $0x1  }
0xae: {  	vm0 =	vgt.f32 v2, $4.000000000e+00;
	v3 =	vmul.f32 $2.500000000e-01, v2  }
0xaf: {  	v4 =	vsel vm0, $0x3F000000, v0  }
0xb0: {  	v3 =	vsel vm0, v3, v2;
	v5 =	vmul.f32 $5.000000000e-01, v4  }
0xb1: {  	vm0 =	vgt.f32 v3, $4.000000000e+00;
	v6 =	vmul.f32 $2.500000000e-01, v3  }
0xb2: {  	v4 =	vsel vm0, v5, v4  }
0xb3: {  	v3 =	vsel vm0, v6, v3;
	v5 =	vmul.f32 $5.000000000e-01, v4  }
0xb4: {  	vm0 =	vgt.f32 v3, $4.000000000e+00;
	v6 =	vmul.f32 $2.500000000e-01, v3  }
0xb5: {  	v4 =	vsel vm0, v5, v4  }
0xb6: {  	v3 =	vsel vm0, v6, v3;
	v5 =	vmul.f32 $5.000000000e-01, v4  }
0xb7: {  	vm0 =	vgt.f32 v3, $4.000000000e+00;
	v6 =	vmul.f32 $2.500000000e-01, v3  }
0xb8: {  	v4 =	vsel vm0, v5, v4  }
0xb9: {  	v3 =	vsel vm0, v6, v3;
	v5 =	vmul.f32 $5.000000000e-01, v4  }
0xba: {  	vm0 =	vgt.f32 v3, $4.000000000e+00;
	v6 =	vmul.f32 $2.500000000e-01, v3  }
0xbb: {  	v4 =	vsel vm0, v5, v4  }
0xbc: {  	v3 =	vsel vm0, v6, v3;
	v5 =	vmul.f32 $5.000000000e-01, v4  }
0xbd: {  	vm0 =	vgt.f32 v3, $4.000000000e+00;
	v6 =	vmul.f32 $2.500000000e-01, v3  }
0xbe: {  	v4 =	vsel vm0, v5, v4  }
0xbf: {  	v3 =	vsel vm0, v6, v3;
	v5 =	vmul.f32 $5.000000000e-01, v4  }
0xc0: {  	vm0 =	vgt.f32 v3, $4.000000000e+00;
	v6 =	vmul.f32 $2.500000000e-01, v3  }
0xc1: {  	v4 =	vsel vm0, v5, v4  }
0xc2: {  	v3 =	vsel vm0, v6, v3;
	v5 =	vmul.f32 $5.000000000e-01, v4  }
0xc3: {  	vm0 =	vgt.f32 v3, $4.000000000e+00;
	v6 =	vmul.f32 $2.500000000e-01, v3  }
0xc4: {  	v4 =	vsel vm0, v5, v4  }
0xc5: {  	v3 =	vsel vm0, v6, v3;
	v5 =	vmul.f32 $5.000000000e-01, v4  }
0xc6: {  	vm0 =	vgt.f32 v3, $4.000000000e+00  }
0xc7: {  	v3 =	vsel vm0, v5, v4  }
0xc8: {  	v2 =	vmul.f32 $5.000000000e-01, v2;
	v3 =	vmul.f32 $6.999999880e-01, v3;
	_ =	sdelay $0x1  }
0xc9: {  	v63 =	vmul.f32 v3, v2;
	_ =	sdelay $0x1  }
0xca: {  	v4 =	vmul.f32 v63, v3;
	_ =	sdelay $0x1  }
0xcb: {  	v4 =	vsub.f32 $1.500000000e+00, v4;
	_ =	sdelay $0x1  }
0xcc: {  	v3 =	vmul.f32 v4, v3;
	_ =	sdelay $0x1  }
0xcd: {  	v4 =	vmul.f32 v3, v2;
	_ =	sdelay $0x1  }
0xce: {  	v4 =	vmul.f32 v4, v3;
	_ =	sdelay $0x1  }
0xcf: {  	v4 =	vsub.f32 $1.500000000e+00, v4;
	_ =	sdelay $0x1  }
0xd0: {  	v3 =	vmul.f32 v4, v3;
	_ =	sdelay $0x1  }
0xd1: {  	v4 =	vmul.f32 v3, v2;
	_ =	sdelay $0x1  }
0xd2: {  	v4 =	vmul.f32 v4, v3;
	_ =	sdelay $0x1  }
0xd3: {  	v4 =	vsub.f32 $1.500000000e+00, v4;
	_ =	sdelay $0x1  }
0xd4: {  	v3 =	vmul.f32 v4, v3;
	_ =	sdelay $0x1  }
0xd5: {  	v4 =	vmul.f32 v3, v2;
	_ =	sdelay $0x1  }
0xd6: {  	v4 =	vmul.f32 v4, v3;
	_ =	sdelay $0x1  }
0xd7: {  	v4 =	vsub.f32 $1.500000000e+00, v4;
	_ =	sdelay $0x1  }
0xd8: {  	v3 =	vmul.f32 v4, v3;
	_ =	sdelay $0x1  }
0xd9: {  	v2 =	vmul.f32 v3, v2;
	_ =	sdelay $0x1  }
0xda: {  	v2 =	vmul.f32 v2, v3;
	_ =	sdelay $0x1  }
0xdb: {  	v2 =	vsub.f32 $1.500000000e+00, v2;
	_ =	sdelay $0x1  }
0xdc: {  	v2 =	vmul.f32 v2, v3;
	_ =	sdelay $0x1  }
0xdd: {  	[tilespmem:s0+$0x0] =	vst v2  }
0xde: {  	[spmem:s10] =	stream.linear.scatter [tilespmem:s30], [sflag:$0x1], $0x280, $0x38;
	[tilespmem:$0x8480] =	vst v63  }
0xdf: {  	_ =	swait.ge [sflag:s23], $0x280  }
0xe0: {  	[sflag:s23] =	ssyncset.done $0x0  }
0xe1: {  	[sflag:s23] =	ssyncadd.s32 $0xFFFFFD80  }
0xe2: {  	[tilespmem:$0x7D00] =	vst v1  }
0xe3: {  	[tilespmem:$0x7D10] =	vst v1  }
0xe4: {  	[tilespmem:$0x7D20] =	vst v1  }
0xe5: {  	[tilespmem:$0x7D30] =	vst v1  }
0xe6: {  	[tilespmem:$0x7D40] =	vst v1  }
0xe7: {  	[tilespmem:$0x7D50] =	vst v1  }
0xe8: {  	[tilespmem:$0x7D60] =	vst v1  }
0xe9: {  	[tilespmem:$0x7D70] =	vst v1  }
0xea: {  	[tilespmem:$0x7D80] =	vst v1  }
0xeb: {  	[tilespmem:$0x7D90] =	vst v1  }
0xec: {  	[tilespmem:$0x7DA0] =	vst v1  }
0xed: {  	[tilespmem:$0x7DB0] =	vst v1  }
0xee: {  	[tilespmem:$0x7DC0] =	vst v1  }
0xef: {  	[tilespmem:$0x7DD0] =	vst v1  }
0xf0: {  	[tilespmem:$0x7DE0] =	vst v1  }
0xf1: {  	[tilespmem:$0x7DF0] =	vst v1  }
0xf2: {  	[tilespmem:$0x7E00] =	vst v1  }
0xf3: {  	[tilespmem:$0x7E10] =	vst v1  }
0xf4: {  	[tilespmem:$0x7E20] =	vst v1  }
0xf5: {  	[tilespmem:$0x7E30] =	vst v1  }
0xf6: {  	[tilespmem:$0x7E40] =	vst v1  }
0xf7: {  	[tilespmem:$0x7E50] =	vst v1  }
0xf8: {  	[tilespmem:$0x7E60] =	vst v1  }
0xf9: {  	[tilespmem:$0x7E70] =	vst v1  }
0xfa: {  	[tilespmem:$0x7E80] =	vst v1  }
0xfb: {  	[tilespmem:$0x7E90] =	vst v1  }
0xfc: {  	[tilespmem:$0x7EA0] =	vst v1  }
0xfd: {  	[tilespmem:$0x7EB0] =	vst v1  }
0xfe: {  	[tilespmem:$0x7EC0] =	vst v1  }
0xff: {  	[tilespmem:$0x7ED0] =	vst v1  }
0x100: {  	[tilespmem:$0x7EE0] =	vst v1  }
0x101: {  	[tilespmem:$0x7EF0] =	vst v1  }
0x102: {  	[tilespmem:$0x7F00] =	vst v1  }
0x103: {  	[tilespmem:$0x7F10] =	vst v1  }
0x104: {  	[tilespmem:$0x7F20] =	vst v1  }
0x105: {  	[tilespmem:$0x7F30] =	vst v1  }
0x106: {  	[tilespmem:$0x7F40] =	vst v1  }
0x107: {  	[tilespmem:$0x7F50] =	vst v1  }
0x108: {  	[tilespmem:$0x7F60] =	vst v1  }
0x109: {  	[tilespmem:$0x7F70] =	vst v1  }
0x10a: {  	[spmem:s11] =	stream.linear.scatter [tilespmem:s30], [sflag:$0x1], $0x280, $0x38;
	[tilespmem:$0x8480] =	vst v63  }
0x10b: {  	_ =	swait.ge [sflag:s23], $0x280  }
0x10c: {  	[sflag:s23] =	ssyncset.done $0x0  }
0x10d: {  	s16 =	simm.s32 @p0 $0x5000;
	[sflag:s23] =	ssyncadd.s32 $0xFFFFFD80  }
0x10e: {  	s14 =	simm.s32 @p0 $0x2800;
	s0 =	simm.s32 @p0 $0xA00;
	[bflag:$0x0] =	sbarrier.arrive $0xFFFF  }
0x10f: {  	[tilespmem:s16], [sflag:$0x1] =	stream.indirect.gather @p0 [spmem:s1], $0x1, s14, s0, $0xb8;
	[tilespmem:$0x8480] =	vst v63  }
0x110: {  	s14 =	simm.s32 @p0 $0x1  }
0x111: {  	_ =	swait.ge @p0 [sflag:s14], $0xA00  }
0x112: {  	[sflag:s14] =	ssyncset.done @p0 $0x0  }
0x113: {  	s18 =	simm.s32 @p0 $0x0;
	[sflag:s14] =	ssyncadd.s32 @p0 $0xFFFFF600  }
0x114: {  	[spmem:s2] =	stream.indirect.scatter.add.f32 @p0 [tilespmem:s16], [sflag:$0x1], $0x1, s18, s0, $0xb8;
	[tilespmem:$0x8480] =	vst v63  }
0x115: {  	_ =	swait.ge @p0 [sflag:s14], $0xA00  }
0x116: {  	s0 =	simm.s32 @!p0 $0x2800;
	[sflag:s14] =	ssyncset.done @p0 $0x0  }
0x117: {  	s16 =	simm.s32 @!p0 $0x1;
	[sflag:s14] =	ssyncadd.s32 @p0 $0xFFFFF600;
	s14 =	simm.s32 @!p0 $0x5000  }
0x118: {  	[tilespmem:s14], [sflag:$0x1] =	stream.indirect.gather @!p0 [spmem:s1], $0x1, s0, s0, $0xb8;
	[tilespmem:$0x8480] =	vst v63  }
0x119: {  	_ =	swait.ge @!p0 [sflag:s16], $0x2800  }
0x11a: {  	[sflag:s16] =	ssyncset.done @!p0 $0x0  }
0x11b: {  	s18 =	simm.s32 @!p0 $0x0;
	[sflag:s16] =	ssyncadd.s32 @!p0 $0xFFFFD800  }
0x11c: {  	[spmem:s2] =	stream.indirect.scatter.add.f32 @!p0 [tilespmem:s14], [sflag:$0x1], $0x1, s18, s0, $0xb8;
	[tilespmem:$0x8480] =	vst v63  }
0x11d: {  	_ =	swait.ge @!p0 [sflag:s16], $0x2800  }
0x11e: {  	s31 =	sadd.s32 $0x1, s31;
	[sflag:s16] =	ssyncset.done @!p0 $0x0  }
0x11f: {  	p2 =	sne.s32 s31, s12;
	[sflag:s16] =	ssyncadd.s32 @!p0 $0xFFFFD800  }
0x120: {  	s0 =	sshrl.u32 @!p1 s2, $0x3;
	s14 =	simm.s32 @!p1 $0x1C01;
	[bflag:$0x0] =	sbarrier.arrive $0xFFFF  }
0x121: {  	[hbm:s13], [sflag:s14] =	dma.local @!p1 [spmem:s0], $0x500  }
.Ltmp1:
0x122: {  	_ = 	snop;
	(pc) =	sbr.rel @p2 .LBB2_1-.Ltmp1, $4  }
0x123: {  	s0 =	simm.s32 @!p1 $0x1  }
0x124: {  	_ =	swait.ge @!p1 [sflag:s0], $0x500  }
0x125: {  	[sflag:s0] =	ssyncset.done @!p1 $0x0  }
0x126: {  	[sflag:s0] =	ssyncadd.s32 @!p1 $0xFFFFFB00  }
0x127: {  	_ =	sfence.sel $0x180000  }
0x128: {  	[bflag:$0x0] =	sbarrier.arrive $0xFFFF  }
0x129: {  	_ =	strace $0x9000004A  }
0x12a: {  	[bflag:$0x2] =	sbarrier.arrive $0xFFFF  }
0x12b: {  	s0 =	rddreg [dreg:$0x4]  }
0x12c: {  	s0 =	sadd.s32 @!p1 $0x100000, s0  }
0x12d: {  	[sflag:s0] =	ssyncadd.tile.s32 @!p1 $0x1;
	_ =	shalt  }
.Lfunc_end2:
_tile_overlayer_lowered:
.L_overlay_start_2:
0x12e: {  	(tag) =	ssettag $0x2  }
0x12f: {  	s0 =	rddreg [dreg:$0x0];
	s2 =	stileid.u32  }
0x130: {  	s1 =	rddreg [dreg:$0x1];
	p0 =	sne.s32 s2, $0x0  }
0x131: {  	s3 =	rddreg [dreg:$0x2];
	[bflag:$0x3] =	sbarrier.arrive $0xFFFF;
	s2 =	simm.s32 @!p0 $0x1C01  }
0x132: {  	[timem:s3], [sflag:s2] =	dma.local @!p0 [hbm:s0], s1  }
0x133: {  	s0 =	simm.s32 @!p0 $0x1  }
0x134: {  	_ =	swait.ge @!p0 [sflag:s0], s1  }
0x135: {  	s1 =	ssub.s32 @!p0 $0x0, s1;
	[sflag:s0] =	ssyncset.done @!p0 $0x0  }
0x136: {  	[sflag:s0] =	ssyncadd.s32 @!p0 s1  }
0x137: {  	[bflag:$0x3] =	sbarrier.arrive $0xFFFF  }
0x138: {  	_ =	shalt  }

</sc_bundles>
